<compile_context>
chip_gen: v7x
topology: tpu7x:2x2x1
jax: 0.10.2.dev20260603
libtpu: 0.0.44.dev20260713+nightly
codegen_flags: <defaults>
</compile_context>

<pallas_src>
import functools

import jax
import jax.numpy as jnp
from jax import lax
from jax.experimental import pallas as pl
from jax.experimental.pallas import tpu as pltpu
from jax.experimental.pallas import tpu_sc as plsc

B, T = 16384, 200
NC, NS, L = 2, 16, 16
NW = NC * NS
CPW = B // NW
SWAP_GROUPS = CPW // L

_OUT_T = jax.ShapeDtypeStruct((T, B), jnp.float32)


@functools.partial(
    pl.kernel,
    out_type=(_OUT_T, _OUT_T),
    mesh=plsc.VectorSubcoreMesh(core_axis_name="c", subcore_axis_name="s"),
    scratch_types=[pltpu.VMEM((T, CPW), jnp.float32)],
    compiler_params=pltpu.CompilerParams(
        use_tc_tiling_on_sc=True, needs_layout_passes=False
    ),
)
def _swap_sc(xt_hbm, o1_hbm, o3_hbm, buf):
    wid = lax.axis_index("s") * NC + lax.axis_index("c")
    cols = pl.ds(wid * CPW, CPW)
    pltpu.sync_copy(xt_hbm.at[:, cols], buf)
    lanes = lax.iota(jnp.int32, L)
    row0 = jnp.zeros((L,), jnp.int32)
    row1 = row0 + 1
    for g in range(SWAP_GROUPS):
        c = lanes + (g * L)
        v0 = plsc.load_gather(buf, [row0, c])
        v1 = plsc.load_gather(buf, [row1, c])
        plsc.store_scatter(buf, [row0, c], v1)
        plsc.store_scatter(buf, [row1, c], v0)
    pltpu.sync_copy(buf, o1_hbm.at[:, cols])
    pltpu.sync_copy(buf, o3_hbm.at[:, cols])


_BN = 2048


def _fanout_body(xt_ref, o0_ref, o2_ref, o4_ref):
    v = xt_ref[...]
    o0_ref[...] = v
    o2_ref[...] = v
    o4_ref[...] = v


_fanout_tc = pl.pallas_call(
    _fanout_body,
    grid=(B // _BN,),
    in_specs=[pl.BlockSpec((T, _BN), lambda i: (0, i))],
    out_specs=[pl.BlockSpec((T, _BN), lambda i: (0, i)) for _ in range(3)],
    out_shape=[_OUT_T for _ in range(3)],
)


def kernel(x):
    xt = x.T
    o1, o3 = _swap_sc(xt)
    o0, o2, o4 = _fanout_tc(xt)
    return (o0.T, o1.T, o2.T, o3.T, o4.T)

# --- scband reference (transcript-rebuilt; emitter-appended) ---
"""Pipeline reference for scband-perturber-17248588661282 (READ-ONLY COPY).

The authoritative reference and input builder live on the scoring server;
editing this copy changes nothing except your own understanding.
"""

import jax, jax.numpy as jnp
import numpy as np

N_LAYERS = 4
SWAP_COUNT = 3


def setup_inputs(seed: int = 0) -> dict:
    key = jax.random.key(seed)
    x = jax.random.normal(key, (16384, 200), dtype=jnp.float32)
    return {"x": x}


def _perturber_block(tokens):
    # Faithful port of PerturberBlock.forward: swap columns 0 and 1 per batch row
    B, T = tokens.shape
    rows = jnp.arange(B)
    idx1 = jnp.zeros((B,), dtype=jnp.int32)  # torch.tensor([0]).repeat(B)
    idx2 = jnp.ones((B,), dtype=jnp.int32)   # torch.tensor([1]).repeat(B)
    tmp = tokens[rows, idx1]                 # gather
    t = tokens.at[rows, idx1].set(tokens[rows, idx2])  # scatter-overwrite
    t = t.at[rows, idx2].set(tmp)                      # scatter-overwrite
    return t


def reference(x):
    pseqs = [x]
    for i in range(N_LAYERS):
        for sp in range(SWAP_COUNT):
            x = _perturber_block(x)
        pseqs.insert(0, x)  # deque.appendleft
    return tuple(pseqs)

if __name__ == "__main__":
    import jax
    _d = setup_inputs()
    print(jax.jit(kernel)(*tuple(_d.values())))

</pallas_src>

<mosaic_0001>
#map = affine_map<(d0, d1) -> (0, 0)>
module attributes {stable_mosaic.version = 14 : i64} {
  func.func @_swap_sc(%arg0: i32, %arg1: i32, %arg2: memref<200x16384xf32, #tpu.memory_space<hbm>>, %arg3: memref<200x16384xf32, #tpu.memory_space<hbm>>, %arg4: memref<200x16384xf32, #tpu.memory_space<hbm>>, %arg5: memref<200x512xf32, #tpu.memory_space<vmem>>) attributes {dimension_semantics = [#tpu.dimension_semantics<core_parallel>, #tpu.dimension_semantics<subcore_parallel>], iteration_bounds = array<i64: 2, 16>, scalar_prefetch = 0 : i64, scratch_operands = 1 : i64, tpu.core_type = #tpu.core_type<sc_vector_subcore>, window_params = [{transform_indices = #map}, {transform_indices = #map}, {transform_indices = #map}]} {
    %mul3A = arith.constant 2 : i32
    %mul3A_0 = arith.muli %arg1, %mul3A : i32
    %add3A = arith.addi %mul3A_0, %arg0 : i32
    %mul3A_1 = arith.constant 512 : i32
    %mul3A_2 = arith.muli %add3A, %mul3A_1 : i32
    "tpu.region"() ({
      %run_scoped3A = tpu.sem_alloc : memref<!tpu.dma_semaphore, #tpu.memory_space<semaphore_mem>>
      %dma_start3A = arith.constant 0 : i32
      %dma_start3A_166 = tpu.memref_slice %arg2[%dma_start3A, %mul3A_2] : memref<200x16384xf32, #tpu.memory_space<hbm>> -> memref<200x512xf32, #tpu.memory_space<hbm>>
      %dma_start3A_167 = arith.constant 0 : i32
      %dma_start3A_168 = tpu.memref_slice %arg2[%dma_start3A_167, %mul3A_2] : memref<200x16384xf32, #tpu.memory_space<hbm>> -> memref<200x512xf32, #tpu.memory_space<hbm>>
      tpu.enqueue_dma source(%dma_start3A_168 : memref<200x512xf32, #tpu.memory_space<hbm>>) target(%arg5 : memref<200x512xf32, #tpu.memory_space<vmem>>) target_semaphore(%run_scoped3A : memref<!tpu.dma_semaphore, #tpu.memory_space<semaphore_mem>>)
      %dma_wait3A = arith.constant 0 : i32
      %dma_wait3A_169 = tpu.memref_slice %arg2[%dma_wait3A, %mul3A_2] : memref<200x16384xf32, #tpu.memory_space<hbm>> -> memref<200x512xf32, #tpu.memory_space<hbm>>
      %dma_wait3A_170 = arith.constant 0 : i32
      %dma_wait3A_171 = tpu.memref_slice %arg2[%dma_wait3A_170, %mul3A_2] : memref<200x16384xf32, #tpu.memory_space<hbm>> -> memref<200x512xf32, #tpu.memory_space<hbm>>
      tpu.wait_dma2 semaphore(%run_scoped3A : memref<!tpu.dma_semaphore, #tpu.memory_space<semaphore_mem>>) src(%dma_wait3A_171 : memref<200x512xf32, #tpu.memory_space<hbm>>) dst(%arg5 : memref<200x512xf32, #tpu.memory_space<vmem>>)
      tpu.yield
    }) : () -> ()
    %iota3A = tpu.iota {dimensions = array<i32: 0>} : vector<16xi32>
    %broadcast_in_dim3A = arith.constant 0 : i32
    %broadcast_in_dim3A_3 = vector.broadcast %broadcast_in_dim3A : i32 to vector<16xi32>
    %add3A_4 = arith.constant 1 : i32
    %add3A_5 = vector.broadcast %add3A_4 : i32 to vector<16xi32>
    %add3A_6 = arith.addi %broadcast_in_dim3A_3, %add3A_5 : vector<16xi32>
    %add3A_7 = arith.constant 0 : i32
    %add3A_8 = vector.broadcast %add3A_7 : i32 to vector<16xi32>
    %add3A_9 = arith.addi %iota3A, %add3A_8 : vector<16xi32>
    %gather3A = tpu.vector_load_idx %arg5[%broadcast_in_dim3A_3, %add3A_9] : memref<200x512xf32, #tpu.memory_space<vmem>>[vector<16xi32>, vector<16xi32>], vector<16xf32>,
    %gather3A_10 = tpu.vector_load_idx %arg5[%add3A_6, %add3A_9] : memref<200x512xf32, #tpu.memory_space<vmem>>[vector<16xi32>, vector<16xi32>], vector<16xf32>,
    tpu.vector_store_idx %arg5[%broadcast_in_dim3A_3, %add3A_9], %gather3A_10 : memref<200x512xf32, #tpu.memory_space<vmem>>[vector<16xi32>, vector<16xi32>], vector<16xf32>,
    tpu.vector_store_idx %arg5[%add3A_6, %add3A_9], %gather3A : memref<200x512xf32, #tpu.memory_space<vmem>>[vector<16xi32>, vector<16xi32>], vector<16xf32>,
    %add3A_11 = arith.constant 16 : i32
    %add3A_12 = vector.broadcast %add3A_11 : i32 to vector<16xi32>
    %add3A_13 = arith.addi %iota3A, %add3A_12 : vector<16xi32>
    %gather3A_14 = tpu.vector_load_idx %arg5[%broadcast_in_dim3A_3, %add3A_13] : memref<200x512xf32, #tpu.memory_space<vmem>>[vector<16xi32>, vector<16xi32>], vector<16xf32>,
    %gather3A_15 = tpu.vector_load_idx %arg5[%add3A_6, %add3A_13] : memref<200x512xf32, #tpu.memory_space<vmem>>[vector<16xi32>, vector<16xi32>], vector<16xf32>,
    tpu.vector_store_idx %arg5[%broadcast_in_dim3A_3, %add3A_13], %gather3A_15 : memref<200x512xf32, #tpu.memory_space<vmem>>[vector<16xi32>, vector<16xi32>], vector<16xf32>,
    tpu.vector_store_idx %arg5[%add3A_6, %add3A_13], %gather3A_14 : memref<200x512xf32, #tpu.memory_space<vmem>>[vector<16xi32>, vector<16xi32>], vector<16xf32>,
    %add3A_16 = arith.constant 32 : i32
    %add3A_17 = vector.broadcast %add3A_16 : i32 to vector<16xi32>
    %add3A_18 = arith.addi %iota3A, %add3A_17 : vector<16xi32>
    %gather3A_19 = tpu.vector_load_idx %arg5[%broadcast_in_dim3A_3, %add3A_18] : memref<200x512xf32, #tpu.memory_space<vmem>>[vector<16xi32>, vector<16xi32>], vector<16xf32>,
    %gather3A_20 = tpu.vector_load_idx %arg5[%add3A_6, %add3A_18] : memref<200x512xf32, #tpu.memory_space<vmem>>[vector<16xi32>, vector<16xi32>], vector<16xf32>,
    tpu.vector_store_idx %arg5[%broadcast_in_dim3A_3, %add3A_18], %gather3A_20 : memref<200x512xf32, #tpu.memory_space<vmem>>[vector<16xi32>, vector<16xi32>], vector<16xf32>,
    tpu.vector_store_idx %arg5[%add3A_6, %add3A_18], %gather3A_19 : memref<200x512xf32, #tpu.memory_space<vmem>>[vector<16xi32>, vector<16xi32>], vector<16xf32>,
    %add3A_21 = arith.constant 48 : i32
    %add3A_22 = vector.broadcast %add3A_21 : i32 to vector<16xi32>
    %add3A_23 = arith.addi %iota3A, %add3A_22 : vector<16xi32>
    %gather3A_24 = tpu.vector_load_idx %arg5[%broadcast_in_dim3A_3, %add3A_23] : memref<200x512xf32, #tpu.memory_space<vmem>>[vector<16xi32>, vector<16xi32>], vector<16xf32>,
    %gather3A_25 = tpu.vector_load_idx %arg5[%add3A_6, %add3A_23] : memref<200x512xf32, #tpu.memory_space<vmem>>[vector<16xi32>, vector<16xi32>], vector<16xf32>,
    tpu.vector_store_idx %arg5[%broadcast_in_dim3A_3, %add3A_23], %gather3A_25 : memref<200x512xf32, #tpu.memory_space<vmem>>[vector<16xi32>, vector<16xi32>], vector<16xf32>,
    tpu.vector_store_idx %arg5[%add3A_6, %add3A_23], %gather3A_24 : memref<200x512xf32, #tpu.memory_space<vmem>>[vector<16xi32>, vector<16xi32>], vector<16xf32>,
    %add3A_26 = arith.constant 64 : i32
    %add3A_27 = vector.broadcast %add3A_26 : i32 to vector<16xi32>
    %add3A_28 = arith.addi %iota3A, %add3A_27 : vector<16xi32>
    %gather3A_29 = tpu.vector_load_idx %arg5[%broadcast_in_dim3A_3, %add3A_28] : memref<200x512xf32, #tpu.memory_space<vmem>>[vector<16xi32>, vector<16xi32>], vector<16xf32>,
    %gather3A_30 = tpu.vector_load_idx %arg5[%add3A_6, %add3A_28] : memref<200x512xf32, #tpu.memory_space<vmem>>[vector<16xi32>, vector<16xi32>], vector<16xf32>,
    tpu.vector_store_idx %arg5[%broadcast_in_dim3A_3, %add3A_28], %gather3A_30 : memref<200x512xf32, #tpu.memory_space<vmem>>[vector<16xi32>, vector<16xi32>], vector<16xf32>,
    tpu.vector_store_idx %arg5[%add3A_6, %add3A_28], %gather3A_29 : memref<200x512xf32, #tpu.memory_space<vmem>>[vector<16xi32>, vector<16xi32>], vector<16xf32>,
    %add3A_31 = arith.constant 80 : i32
    %add3A_32 = vector.broadcast %add3A_31 : i32 to vector<16xi32>
    %add3A_33 = arith.addi %iota3A, %add3A_32 : vector<16xi32>
    %gather3A_34 = tpu.vector_load_idx %arg5[%broadcast_in_dim3A_3, %add3A_33] : memref<200x512xf32, #tpu.memory_space<vmem>>[vector<16xi32>, vector<16xi32>], vector<16xf32>,
    %gather3A_35 = tpu.vector_load_idx %arg5[%add3A_6, %add3A_33] : memref<200x512xf32, #tpu.memory_space<vmem>>[vector<16xi32>, vector<16xi32>], vector<16xf32>,
    tpu.vector_store_idx %arg5[%broadcast_in_dim3A_3, %add3A_33], %gather3A_35 : memref<200x512xf32, #tpu.memory_space<vmem>>[vector<16xi32>, vector<16xi32>], vector<16xf32>,
    tpu.vector_store_idx %arg5[%add3A_6, %add3A_33], %gather3A_34 : memref<200x512xf32, #tpu.memory_space<vmem>>[vector<16xi32>, vector<16xi32>], vector<16xf32>,
    %add3A_36 = arith.constant 96 : i32
    %add3A_37 = vector.broadcast %add3A_36 : i32 to vector<16xi32>
    %add3A_38 = arith.addi %iota3A, %add3A_37 : vector<16xi32>
    %gather3A_39 = tpu.vector_load_idx %arg5[%broadcast_in_dim3A_3, %add3A_38] : memref<200x512xf32, #tpu.memory_space<vmem>>[vector<16xi32>, vector<16xi32>], vector<16xf32>,
    %gather3A_40 = tpu.vector_load_idx %arg5[%add3A_6, %add3A_38] : memref<200x512xf32, #tpu.memory_space<vmem>>[vector<16xi32>, vector<16xi32>], vector<16xf32>,
    tpu.vector_store_idx %arg5[%broadcast_in_dim3A_3, %add3A_38], %gather3A_40 : memref<200x512xf32, #tpu.memory_space<vmem>>[vector<16xi32>, vector<16xi32>], vector<16xf32>,
    tpu.vector_store_idx %arg5[%add3A_6, %add3A_38], %gather3A_39 : memref<200x512xf32, #tpu.memory_space<vmem>>[vector<16xi32>, vector<16xi32>], vector<16xf32>,
    %add3A_41 = arith.constant 112 : i32
    %add3A_42 = vector.broadcast %add3A_41 : i32 to vector<16xi32>
    %add3A_43 = arith.addi %iota3A, %add3A_42 : vector<16xi32>
    %gather3A_44 = tpu.vector_load_idx %arg5[%broadcast_in_dim3A_3, %add3A_43] : memref<200x512xf32, #tpu.memory_space<vmem>>[vector<16xi32>, vector<16xi32>], vector<16xf32>,
    %gather3A_45 = tpu.vector_load_idx %arg5[%add3A_6, %add3A_43] : memref<200x512xf32, #tpu.memory_space<vmem>>[vector<16xi32>, vector<16xi32>], vector<16xf32>,
    tpu.vector_store_idx %arg5[%broadcast_in_dim3A_3, %add3A_43], %gather3A_45 : memref<200x512xf32, #tpu.memory_space<vmem>>[vector<16xi32>, vector<16xi32>], vector<16xf32>,
    tpu.vector_store_idx %arg5[%add3A_6, %add3A_43], %gather3A_44 : memref<200x512xf32, #tpu.memory_space<vmem>>[vector<16xi32>, vector<16xi32>], vector<16xf32>,
    %add3A_46 = arith.constant 128 : i32
    %add3A_47 = vector.broadcast %add3A_46 : i32 to vector<16xi32>
    %add3A_48 = arith.addi %iota3A, %add3A_47 : vector<16xi32>
    %gather3A_49 = tpu.vector_load_idx %arg5[%broadcast_in_dim3A_3, %add3A_48] : memref<200x512xf32, #tpu.memory_space<vmem>>[vector<16xi32>, vector<16xi32>], vector<16xf32>,
    %gather3A_50 = tpu.vector_load_idx %arg5[%add3A_6, %add3A_48] : memref<200x512xf32, #tpu.memory_space<vmem>>[vector<16xi32>, vector<16xi32>], vector<16xf32>,
    tpu.vector_store_idx %arg5[%broadcast_in_dim3A_3, %add3A_48], %gather3A_50 : memref<200x512xf32, #tpu.memory_space<vmem>>[vector<16xi32>, vector<16xi32>], vector<16xf32>,
    tpu.vector_store_idx %arg5[%add3A_6, %add3A_48], %gather3A_49 : memref<200x512xf32, #tpu.memory_space<vmem>>[vector<16xi32>, vector<16xi32>], vector<16xf32>,
    %add3A_51 = arith.constant 144 : i32
    %add3A_52 = vector.broadcast %add3A_51 : i32 to vector<16xi32>
    %add3A_53 = arith.addi %iota3A, %add3A_52 : vector<16xi32>
    %gather3A_54 = tpu.vector_load_idx %arg5[%broadcast_in_dim3A_3, %add3A_53] : memref<200x512xf32, #tpu.memory_space<vmem>>[vector<16xi32>, vector<16xi32>], vector<16xf32>,
    %gather3A_55 = tpu.vector_load_idx %arg5[%add3A_6, %add3A_53] : memref<200x512xf32, #tpu.memory_space<vmem>>[vector<16xi32>, vector<16xi32>], vector<16xf32>,
    tpu.vector_store_idx %arg5[%broadcast_in_dim3A_3, %add3A_53], %gather3A_55 : memref<200x512xf32, #tpu.memory_space<vmem>>[vector<16xi32>, vector<16xi32>], vector<16xf32>,
    tpu.vector_store_idx %arg5[%add3A_6, %add3A_53], %gather3A_54 : memref<200x512xf32, #tpu.memory_space<vmem>>[vector<16xi32>, vector<16xi32>], vector<16xf32>,
    %add3A_56 = arith.constant 160 : i32
    %add3A_57 = vector.broadcast %add3A_56 : i32 to vector<16xi32>
    %add3A_58 = arith.addi %iota3A, %add3A_57 : vector<16xi32>
    %gather3A_59 = tpu.vector_load_idx %arg5[%broadcast_in_dim3A_3, %add3A_58] : memref<200x512xf32, #tpu.memory_space<vmem>>[vector<16xi32>, vector<16xi32>], vector<16xf32>,
    %gather3A_60 = tpu.vector_load_idx %arg5[%add3A_6, %add3A_58] : memref<200x512xf32, #tpu.memory_space<vmem>>[vector<16xi32>, vector<16xi32>], vector<16xf32>,
    tpu.vector_store_idx %arg5[%broadcast_in_dim3A_3, %add3A_58], %gather3A_60 : memref<200x512xf32, #tpu.memory_space<vmem>>[vector<16xi32>, vector<16xi32>], vector<16xf32>,
    tpu.vector_store_idx %arg5[%add3A_6, %add3A_58], %gather3A_59 : memref<200x512xf32, #tpu.memory_space<vmem>>[vector<16xi32>, vector<16xi32>], vector<16xf32>,
    %add3A_61 = arith.constant 176 : i32
    %add3A_62 = vector.broadcast %add3A_61 : i32 to vector<16xi32>
    %add3A_63 = arith.addi %iota3A, %add3A_62 : vector<16xi32>
    %gather3A_64 = tpu.vector_load_idx %arg5[%broadcast_in_dim3A_3, %add3A_63] : memref<200x512xf32, #tpu.memory_space<vmem>>[vector<16xi32>, vector<16xi32>], vector<16xf32>,
    %gather3A_65 = tpu.vector_load_idx %arg5[%add3A_6, %add3A_63] : memref<200x512xf32, #tpu.memory_space<vmem>>[vector<16xi32>, vector<16xi32>], vector<16xf32>,
    tpu.vector_store_idx %arg5[%broadcast_in_dim3A_3, %add3A_63], %gather3A_65 : memref<200x512xf32, #tpu.memory_space<vmem>>[vector<16xi32>, vector<16xi32>], vector<16xf32>,
    tpu.vector_store_idx %arg5[%add3A_6, %add3A_63], %gather3A_64 : memref<200x512xf32, #tpu.memory_space<vmem>>[vector<16xi32>, vector<16xi32>], vector<16xf32>,
    %add3A_66 = arith.constant 192 : i32
    %add3A_67 = vector.broadcast %add3A_66 : i32 to vector<16xi32>
    %add3A_68 = arith.addi %iota3A, %add3A_67 : vector<16xi32>
    %gather3A_69 = tpu.vector_load_idx %arg5[%broadcast_in_dim3A_3, %add3A_68] : memref<200x512xf32, #tpu.memory_space<vmem>>[vector<16xi32>, vector<16xi32>], vector<16xf32>,
    %gather3A_70 = tpu.vector_load_idx %arg5[%add3A_6, %add3A_68] : memref<200x512xf32, #tpu.memory_space<vmem>>[vector<16xi32>, vector<16xi32>], vector<16xf32>,
    tpu.vector_store_idx %arg5[%broadcast_in_dim3A_3, %add3A_68], %gather3A_70 : memref<200x512xf32, #tpu.memory_space<vmem>>[vector<16xi32>, vector<16xi32>], vector<16xf32>,
    tpu.vector_store_idx %arg5[%add3A_6, %add3A_68], %gather3A_69 : memref<200x512xf32, #tpu.memory_space<vmem>>[vector<16xi32>, vector<16xi32>], vector<16xf32>,
    %add3A_71 = arith.constant 208 : i32
    %add3A_72 = vector.broadcast %add3A_71 : i32 to vector<16xi32>
    %add3A_73 = arith.addi %iota3A, %add3A_72 : vector<16xi32>
    %gather3A_74 = tpu.vector_load_idx %arg5[%broadcast_in_dim3A_3, %add3A_73] : memref<200x512xf32, #tpu.memory_space<vmem>>[vector<16xi32>, vector<16xi32>], vector<16xf32>,
    %gather3A_75 = tpu.vector_load_idx %arg5[%add3A_6, %add3A_73] : memref<200x512xf32, #tpu.memory_space<vmem>>[vector<16xi32>, vector<16xi32>], vector<16xf32>,
    tpu.vector_store_idx %arg5[%broadcast_in_dim3A_3, %add3A_73], %gather3A_75 : memref<200x512xf32, #tpu.memory_space<vmem>>[vector<16xi32>, vector<16xi32>], vector<16xf32>,
    tpu.vector_store_idx %arg5[%add3A_6, %add3A_73], %gather3A_74 : memref<200x512xf32, #tpu.memory_space<vmem>>[vector<16xi32>, vector<16xi32>], vector<16xf32>,
    %add3A_76 = arith.constant 224 : i32
    %add3A_77 = vector.broadcast %add3A_76 : i32 to vector<16xi32>
    %add3A_78 = arith.addi %iota3A, %add3A_77 : vector<16xi32>
    %gather3A_79 = tpu.vector_load_idx %arg5[%broadcast_in_dim3A_3, %add3A_78] : memref<200x512xf32, #tpu.memory_space<vmem>>[vector<16xi32>, vector<16xi32>], vector<16xf32>,
    %gather3A_80 = tpu.vector_load_idx %arg5[%add3A_6, %add3A_78] : memref<200x512xf32, #tpu.memory_space<vmem>>[vector<16xi32>, vector<16xi32>], vector<16xf32>,
    tpu.vector_store_idx %arg5[%broadcast_in_dim3A_3, %add3A_78], %gather3A_80 : memref<200x512xf32, #tpu.memory_space<vmem>>[vector<16xi32>, vector<16xi32>], vector<16xf32>,
    tpu.vector_store_idx %arg5[%add3A_6, %add3A_78], %gather3A_79 : memref<200x512xf32, #tpu.memory_space<vmem>>[vector<16xi32>, vector<16xi32>], vector<16xf32>,
    %add3A_81 = arith.constant 240 : i32
    %add3A_82 = vector.broadcast %add3A_81 : i32 to vector<16xi32>
    %add3A_83 = arith.addi %iota3A, %add3A_82 : vector<16xi32>
    %gather3A_84 = tpu.vector_load_idx %arg5[%broadcast_in_dim3A_3, %add3A_83] : memref<200x512xf32, #tpu.memory_space<vmem>>[vector<16xi32>, vector<16xi32>], vector<16xf32>,
    %gather3A_85 = tpu.vector_load_idx %arg5[%add3A_6, %add3A_83] : memref<200x512xf32, #tpu.memory_space<vmem>>[vector<16xi32>, vector<16xi32>], vector<16xf32>,
    tpu.vector_store_idx %arg5[%broadcast_in_dim3A_3, %add3A_83], %gather3A_85 : memref<200x512xf32, #tpu.memory_space<vmem>>[vector<16xi32>, vector<16xi32>], vector<16xf32>,
    tpu.vector_store_idx %arg5[%add3A_6, %add3A_83], %gather3A_84 : memref<200x512xf32, #tpu.memory_space<vmem>>[vector<16xi32>, vector<16xi32>], vector<16xf32>,
    %add3A_86 = arith.constant 256 : i32
    %add3A_87 = vector.broadcast %add3A_86 : i32 to vector<16xi32>
    %add3A_88 = arith.addi %iota3A, %add3A_87 : vector<16xi32>
    %gather3A_89 = tpu.vector_load_idx %arg5[%broadcast_in_dim3A_3, %add3A_88] : memref<200x512xf32, #tpu.memory_space<vmem>>[vector<16xi32>, vector<16xi32>], vector<16xf32>,
    %gather3A_90 = tpu.vector_load_idx %arg5[%add3A_6, %add3A_88] : memref<200x512xf32, #tpu.memory_space<vmem>>[vector<16xi32>, vector<16xi32>], vector<16xf32>,
    tpu.vector_store_idx %arg5[%broadcast_in_dim3A_3, %add3A_88], %gather3A_90 : memref<200x512xf32, #tpu.memory_space<vmem>>[vector<16xi32>, vector<16xi32>], vector<16xf32>,
    tpu.vector_store_idx %arg5[%add3A_6, %add3A_88], %gather3A_89 : memref<200x512xf32, #tpu.memory_space<vmem>>[vector<16xi32>, vector<16xi32>], vector<16xf32>,
    %add3A_91 = arith.constant 272 : i32
    %add3A_92 = vector.broadcast %add3A_91 : i32 to vector<16xi32>
    %add3A_93 = arith.addi %iota3A, %add3A_92 : vector<16xi32>
    %gather3A_94 = tpu.vector_load_idx %arg5[%broadcast_in_dim3A_3, %add3A_93] : memref<200x512xf32, #tpu.memory_space<vmem>>[vector<16xi32>, vector<16xi32>], vector<16xf32>,
    %gather3A_95 = tpu.vector_load_idx %arg5[%add3A_6, %add3A_93] : memref<200x512xf32, #tpu.memory_space<vmem>>[vector<16xi32>, vector<16xi32>], vector<16xf32>,
    tpu.vector_store_idx %arg5[%broadcast_in_dim3A_3, %add3A_93], %gather3A_95 : memref<200x512xf32, #tpu.memory_space<vmem>>[vector<16xi32>, vector<16xi32>], vector<16xf32>,
    tpu.vector_store_idx %arg5[%add3A_6, %add3A_93], %gather3A_94 : memref<200x512xf32, #tpu.memory_space<vmem>>[vector<16xi32>, vector<16xi32>], vector<16xf32>,
    %add3A_96 = arith.constant 288 : i32
    %add3A_97 = vector.broadcast %add3A_96 : i32 to vector<16xi32>
    %add3A_98 = arith.addi %iota3A, %add3A_97 : vector<16xi32>
    %gather3A_99 = tpu.vector_load_idx %arg5[%broadcast_in_dim3A_3, %add3A_98] : memref<200x512xf32, #tpu.memory_space<vmem>>[vector<16xi32>, vector<16xi32>], vector<16xf32>,
    %gather3A_100 = tpu.vector_load_idx %arg5[%add3A_6, %add3A_98] : memref<200x512xf32, #tpu.memory_space<vmem>>[vector<16xi32>, vector<16xi32>], vector<16xf32>,
    tpu.vector_store_idx %arg5[%broadcast_in_dim3A_3, %add3A_98], %gather3A_100 : memref<200x512xf32, #tpu.memory_space<vmem>>[vector<16xi32>, vector<16xi32>], vector<16xf32>,
    tpu.vector_store_idx %arg5[%add3A_6, %add3A_98], %gather3A_99 : memref<200x512xf32, #tpu.memory_space<vmem>>[vector<16xi32>, vector<16xi32>], vector<16xf32>,
    %add3A_101 = arith.constant 304 : i32
    %add3A_102 = vector.broadcast %add3A_101 : i32 to vector<16xi32>
    %add3A_103 = arith.addi %iota3A, %add3A_102 : vector<16xi32>
    %gather3A_104 = tpu.vector_load_idx %arg5[%broadcast_in_dim3A_3, %add3A_103] : memref<200x512xf32, #tpu.memory_space<vmem>>[vector<16xi32>, vector<16xi32>], vector<16xf32>,
    %gather3A_105 = tpu.vector_load_idx %arg5[%add3A_6, %add3A_103] : memref<200x512xf32, #tpu.memory_space<vmem>>[vector<16xi32>, vector<16xi32>], vector<16xf32>,
    tpu.vector_store_idx %arg5[%broadcast_in_dim3A_3, %add3A_103], %gather3A_105 : memref<200x512xf32, #tpu.memory_space<vmem>>[vector<16xi32>, vector<16xi32>], vector<16xf32>,
    tpu.vector_store_idx %arg5[%add3A_6, %add3A_103], %gather3A_104 : memref<200x512xf32, #tpu.memory_space<vmem>>[vector<16xi32>, vector<16xi32>], vector<16xf32>,
    %add3A_106 = arith.constant 320 : i32
    %add3A_107 = vector.broadcast %add3A_106 : i32 to vector<16xi32>
    %add3A_108 = arith.addi %iota3A, %add3A_107 : vector<16xi32>
    %gather3A_109 = tpu.vector_load_idx %arg5[%broadcast_in_dim3A_3, %add3A_108] : memref<200x512xf32, #tpu.memory_space<vmem>>[vector<16xi32>, vector<16xi32>], vector<16xf32>,
    %gather3A_110 = tpu.vector_load_idx %arg5[%add3A_6, %add3A_108] : memref<200x512xf32, #tpu.memory_space<vmem>>[vector<16xi32>, vector<16xi32>], vector<16xf32>,
    tpu.vector_store_idx %arg5[%broadcast_in_dim3A_3, %add3A_108], %gather3A_110 : memref<200x512xf32, #tpu.memory_space<vmem>>[vector<16xi32>, vector<16xi32>], vector<16xf32>,
    tpu.vector_store_idx %arg5[%add3A_6, %add3A_108], %gather3A_109 : memref<200x512xf32, #tpu.memory_space<vmem>>[vector<16xi32>, vector<16xi32>], vector<16xf32>,
    %add3A_111 = arith.constant 336 : i32
    %add3A_112 = vector.broadcast %add3A_111 : i32 to vector<16xi32>
    %add3A_113 = arith.addi %iota3A, %add3A_112 : vector<16xi32>
    %gather3A_114 = tpu.vector_load_idx %arg5[%broadcast_in_dim3A_3, %add3A_113] : memref<200x512xf32, #tpu.memory_space<vmem>>[vector<16xi32>, vector<16xi32>], vector<16xf32>,
    %gather3A_115 = tpu.vector_load_idx %arg5[%add3A_6, %add3A_113] : memref<200x512xf32, #tpu.memory_space<vmem>>[vector<16xi32>, vector<16xi32>], vector<16xf32>,
    tpu.vector_store_idx %arg5[%broadcast_in_dim3A_3, %add3A_113], %gather3A_115 : memref<200x512xf32, #tpu.memory_space<vmem>>[vector<16xi32>, vector<16xi32>], vector<16xf32>,
    tpu.vector_store_idx %arg5[%add3A_6, %add3A_113], %gather3A_114 : memref<200x512xf32, #tpu.memory_space<vmem>>[vector<16xi32>, vector<16xi32>], vector<16xf32>,
    %add3A_116 = arith.constant 352 : i32
    %add3A_117 = vector.broadcast %add3A_116 : i32 to vector<16xi32>
    %add3A_118 = arith.addi %iota3A, %add3A_117 : vector<16xi32>
    %gather3A_119 = tpu.vector_load_idx %arg5[%broadcast_in_dim3A_3, %add3A_118] : memref<200x512xf32, #tpu.memory_space<vmem>>[vector<16xi32>, vector<16xi32>], vector<16xf32>,
    %gather3A_120 = tpu.vector_load_idx %arg5[%add3A_6, %add3A_118] : memref<200x512xf32, #tpu.memory_space<vmem>>[vector<16xi32>, vector<16xi32>], vector<16xf32>,
    tpu.vector_store_idx %arg5[%broadcast_in_dim3A_3, %add3A_118], %gather3A_120 : memref<200x512xf32, #tpu.memory_space<vmem>>[vector<16xi32>, vector<16xi32>], vector<16xf32>,
    tpu.vector_store_idx %arg5[%add3A_6, %add3A_118], %gather3A_119 : memref<200x512xf32, #tpu.memory_space<vmem>>[vector<16xi32>, vector<16xi32>], vector<16xf32>,
    %add3A_121 = arith.constant 368 : i32
    %add3A_122 = vector.broadcast %add3A_121 : i32 to vector<16xi32>
    %add3A_123 = arith.addi %iota3A, %add3A_122 : vector<16xi32>
    %gather3A_124 = tpu.vector_load_idx %arg5[%broadcast_in_dim3A_3, %add3A_123] : memref<200x512xf32, #tpu.memory_space<vmem>>[vector<16xi32>, vector<16xi32>], vector<16xf32>,
    %gather3A_125 = tpu.vector_load_idx %arg5[%add3A_6, %add3A_123] : memref<200x512xf32, #tpu.memory_space<vmem>>[vector<16xi32>, vector<16xi32>], vector<16xf32>,
    tpu.vector_store_idx %arg5[%broadcast_in_dim3A_3, %add3A_123], %gather3A_125 : memref<200x512xf32, #tpu.memory_space<vmem>>[vector<16xi32>, vector<16xi32>], vector<16xf32>,
    tpu.vector_store_idx %arg5[%add3A_6, %add3A_123], %gather3A_124 : memref<200x512xf32, #tpu.memory_space<vmem>>[vector<16xi32>, vector<16xi32>], vector<16xf32>,
    %add3A_126 = arith.constant 384 : i32
    %add3A_127 = vector.broadcast %add3A_126 : i32 to vector<16xi32>
    %add3A_128 = arith.addi %iota3A, %add3A_127 : vector<16xi32>
    %gather3A_129 = tpu.vector_load_idx %arg5[%broadcast_in_dim3A_3, %add3A_128] : memref<200x512xf32, #tpu.memory_space<vmem>>[vector<16xi32>, vector<16xi32>], vector<16xf32>,
    %gather3A_130 = tpu.vector_load_idx %arg5[%add3A_6, %add3A_128] : memref<200x512xf32, #tpu.memory_space<vmem>>[vector<16xi32>, vector<16xi32>], vector<16xf32>,
    tpu.vector_store_idx %arg5[%broadcast_in_dim3A_3, %add3A_128], %gather3A_130 : memref<200x512xf32, #tpu.memory_space<vmem>>[vector<16xi32>, vector<16xi32>], vector<16xf32>,
    tpu.vector_store_idx %arg5[%add3A_6, %add3A_128], %gather3A_129 : memref<200x512xf32, #tpu.memory_space<vmem>>[vector<16xi32>, vector<16xi32>], vector<16xf32>,
    %add3A_131 = arith.constant 400 : i32
    %add3A_132 = vector.broadcast %add3A_131 : i32 to vector<16xi32>
    %add3A_133 = arith.addi %iota3A, %add3A_132 : vector<16xi32>
    %gather3A_134 = tpu.vector_load_idx %arg5[%broadcast_in_dim3A_3, %add3A_133] : memref<200x512xf32, #tpu.memory_space<vmem>>[vector<16xi32>, vector<16xi32>], vector<16xf32>,
    %gather3A_135 = tpu.vector_load_idx %arg5[%add3A_6, %add3A_133] : memref<200x512xf32, #tpu.memory_space<vmem>>[vector<16xi32>, vector<16xi32>], vector<16xf32>,
    tpu.vector_store_idx %arg5[%broadcast_in_dim3A_3, %add3A_133], %gather3A_135 : memref<200x512xf32, #tpu.memory_space<vmem>>[vector<16xi32>, vector<16xi32>], vector<16xf32>,
    tpu.vector_store_idx %arg5[%add3A_6, %add3A_133], %gather3A_134 : memref<200x512xf32, #tpu.memory_space<vmem>>[vector<16xi32>, vector<16xi32>], vector<16xf32>,
    %add3A_136 = arith.constant 416 : i32
    %add3A_137 = vector.broadcast %add3A_136 : i32 to vector<16xi32>
    %add3A_138 = arith.addi %iota3A, %add3A_137 : vector<16xi32>
    %gather3A_139 = tpu.vector_load_idx %arg5[%broadcast_in_dim3A_3, %add3A_138] : memref<200x512xf32, #tpu.memory_space<vmem>>[vector<16xi32>, vector<16xi32>], vector<16xf32>,
    %gather3A_140 = tpu.vector_load_idx %arg5[%add3A_6, %add3A_138] : memref<200x512xf32, #tpu.memory_space<vmem>>[vector<16xi32>, vector<16xi32>], vector<16xf32>,
    tpu.vector_store_idx %arg5[%broadcast_in_dim3A_3, %add3A_138], %gather3A_140 : memref<200x512xf32, #tpu.memory_space<vmem>>[vector<16xi32>, vector<16xi32>], vector<16xf32>,
    tpu.vector_store_idx %arg5[%add3A_6, %add3A_138], %gather3A_139 : memref<200x512xf32, #tpu.memory_space<vmem>>[vector<16xi32>, vector<16xi32>], vector<16xf32>,
    %add3A_141 = arith.constant 432 : i32
    %add3A_142 = vector.broadcast %add3A_141 : i32 to vector<16xi32>
    %add3A_143 = arith.addi %iota3A, %add3A_142 : vector<16xi32>
    %gather3A_144 = tpu.vector_load_idx %arg5[%broadcast_in_dim3A_3, %add3A_143] : memref<200x512xf32, #tpu.memory_space<vmem>>[vector<16xi32>, vector<16xi32>], vector<16xf32>,
    %gather3A_145 = tpu.vector_load_idx %arg5[%add3A_6, %add3A_143] : memref<200x512xf32, #tpu.memory_space<vmem>>[vector<16xi32>, vector<16xi32>], vector<16xf32>,
    tpu.vector_store_idx %arg5[%broadcast_in_dim3A_3, %add3A_143], %gather3A_145 : memref<200x512xf32, #tpu.memory_space<vmem>>[vector<16xi32>, vector<16xi32>], vector<16xf32>,
    tpu.vector_store_idx %arg5[%add3A_6, %add3A_143], %gather3A_144 : memref<200x512xf32, #tpu.memory_space<vmem>>[vector<16xi32>, vector<16xi32>], vector<16xf32>,
    %add3A_146 = arith.constant 448 : i32
    %add3A_147 = vector.broadcast %add3A_146 : i32 to vector<16xi32>
    %add3A_148 = arith.addi %iota3A, %add3A_147 : vector<16xi32>
    %gather3A_149 = tpu.vector_load_idx %arg5[%broadcast_in_dim3A_3, %add3A_148] : memref<200x512xf32, #tpu.memory_space<vmem>>[vector<16xi32>, vector<16xi32>], vector<16xf32>,
    %gather3A_150 = tpu.vector_load_idx %arg5[%add3A_6, %add3A_148] : memref<200x512xf32, #tpu.memory_space<vmem>>[vector<16xi32>, vector<16xi32>], vector<16xf32>,
    tpu.vector_store_idx %arg5[%broadcast_in_dim3A_3, %add3A_148], %gather3A_150 : memref<200x512xf32, #tpu.memory_space<vmem>>[vector<16xi32>, vector<16xi32>], vector<16xf32>,
    tpu.vector_store_idx %arg5[%add3A_6, %add3A_148], %gather3A_149 : memref<200x512xf32, #tpu.memory_space<vmem>>[vector<16xi32>, vector<16xi32>], vector<16xf32>,
    %add3A_151 = arith.constant 464 : i32
    %add3A_152 = vector.broadcast %add3A_151 : i32 to vector<16xi32>
    %add3A_153 = arith.addi %iota3A, %add3A_152 : vector<16xi32>
    %gather3A_154 = tpu.vector_load_idx %arg5[%broadcast_in_dim3A_3, %add3A_153] : memref<200x512xf32, #tpu.memory_space<vmem>>[vector<16xi32>, vector<16xi32>], vector<16xf32>,
    %gather3A_155 = tpu.vector_load_idx %arg5[%add3A_6, %add3A_153] : memref<200x512xf32, #tpu.memory_space<vmem>>[vector<16xi32>, vector<16xi32>], vector<16xf32>,
    tpu.vector_store_idx %arg5[%broadcast_in_dim3A_3, %add3A_153], %gather3A_155 : memref<200x512xf32, #tpu.memory_space<vmem>>[vector<16xi32>, vector<16xi32>], vector<16xf32>,
    tpu.vector_store_idx %arg5[%add3A_6, %add3A_153], %gather3A_154 : memref<200x512xf32, #tpu.memory_space<vmem>>[vector<16xi32>, vector<16xi32>], vector<16xf32>,
    %add3A_156 = arith.constant 480 : i32
    %add3A_157 = vector.broadcast %add3A_156 : i32 to vector<16xi32>
    %add3A_158 = arith.addi %iota3A, %add3A_157 : vector<16xi32>
    %gather3A_159 = tpu.vector_load_idx %arg5[%broadcast_in_dim3A_3, %add3A_158] : memref<200x512xf32, #tpu.memory_space<vmem>>[vector<16xi32>, vector<16xi32>], vector<16xf32>,
    %gather3A_160 = tpu.vector_load_idx %arg5[%add3A_6, %add3A_158] : memref<200x512xf32, #tpu.memory_space<vmem>>[vector<16xi32>, vector<16xi32>], vector<16xf32>,
    tpu.vector_store_idx %arg5[%broadcast_in_dim3A_3, %add3A_158], %gather3A_160 : memref<200x512xf32, #tpu.memory_space<vmem>>[vector<16xi32>, vector<16xi32>], vector<16xf32>,
    tpu.vector_store_idx %arg5[%add3A_6, %add3A_158], %gather3A_159 : memref<200x512xf32, #tpu.memory_space<vmem>>[vector<16xi32>, vector<16xi32>], vector<16xf32>,
    %add3A_161 = arith.constant 496 : i32
    %add3A_162 = vector.broadcast %add3A_161 : i32 to vector<16xi32>
    %add3A_163 = arith.addi %iota3A, %add3A_162 : vector<16xi32>
    %gather3A_164 = tpu.vector_load_idx %arg5[%broadcast_in_dim3A_3, %add3A_163] : memref<200x512xf32, #tpu.memory_space<vmem>>[vector<16xi32>, vector<16xi32>], vector<16xf32>,
    %gather3A_165 = tpu.vector_load_idx %arg5[%add3A_6, %add3A_163] : memref<200x512xf32, #tpu.memory_space<vmem>>[vector<16xi32>, vector<16xi32>], vector<16xf32>,
    tpu.vector_store_idx %arg5[%broadcast_in_dim3A_3, %add3A_163], %gather3A_165 : memref<200x512xf32, #tpu.memory_space<vmem>>[vector<16xi32>, vector<16xi32>], vector<16xf32>,
    tpu.vector_store_idx %arg5[%add3A_6, %add3A_163], %gather3A_164 : memref<200x512xf32, #tpu.memory_space<vmem>>[vector<16xi32>, vector<16xi32>], vector<16xf32>,
    "tpu.region"() ({
      %run_scoped3A = tpu.sem_alloc : memref<!tpu.dma_semaphore, #tpu.memory_space<semaphore_mem>>
      %dma_start3A = arith.constant 0 : i32
      %dma_start3A_166 = tpu.memref_slice %arg3[%dma_start3A, %mul3A_2] : memref<200x16384xf32, #tpu.memory_space<hbm>> -> memref<200x512xf32, #tpu.memory_space<hbm>>
      %dma_start3A_167 = arith.constant 0 : i32
      %dma_start3A_168 = tpu.memref_slice %arg3[%dma_start3A_167, %mul3A_2] : memref<200x16384xf32, #tpu.memory_space<hbm>> -> memref<200x512xf32, #tpu.memory_space<hbm>>
      tpu.enqueue_dma source(%arg5 : memref<200x512xf32, #tpu.memory_space<vmem>>) target(%dma_start3A_168 : memref<200x512xf32, #tpu.memory_space<hbm>>) target_semaphore(%run_scoped3A : memref<!tpu.dma_semaphore, #tpu.memory_space<semaphore_mem>>)
      %dma_wait3A = arith.constant 0 : i32
      %dma_wait3A_169 = tpu.memref_slice %arg3[%dma_wait3A, %mul3A_2] : memref<200x16384xf32, #tpu.memory_space<hbm>> -> memref<200x512xf32, #tpu.memory_space<hbm>>
      %dma_wait3A_170 = arith.constant 0 : i32
      %dma_wait3A_171 = tpu.memref_slice %arg3[%dma_wait3A_170, %mul3A_2] : memref<200x16384xf32, #tpu.memory_space<hbm>> -> memref<200x512xf32, #tpu.memory_space<hbm>>
      tpu.wait_dma2 semaphore(%run_scoped3A : memref<!tpu.dma_semaphore, #tpu.memory_space<semaphore_mem>>) src(%arg5 : memref<200x512xf32, #tpu.memory_space<vmem>>) dst(%dma_wait3A_171 : memref<200x512xf32, #tpu.memory_space<hbm>>)
      tpu.yield
    }) : () -> ()
    "tpu.region"() ({
      %run_scoped3A = tpu.sem_alloc : memref<!tpu.dma_semaphore, #tpu.memory_space<semaphore_mem>>
      %dma_start3A = arith.constant 0 : i32
      %dma_start3A_166 = tpu.memref_slice %arg4[%dma_start3A, %mul3A_2] : memref<200x16384xf32, #tpu.memory_space<hbm>> -> memref<200x512xf32, #tpu.memory_space<hbm>>
      %dma_start3A_167 = arith.constant 0 : i32
      %dma_start3A_168 = tpu.memref_slice %arg4[%dma_start3A_167, %mul3A_2] : memref<200x16384xf32, #tpu.memory_space<hbm>> -> memref<200x512xf32, #tpu.memory_space<hbm>>
      tpu.enqueue_dma source(%arg5 : memref<200x512xf32, #tpu.memory_space<vmem>>) target(%dma_start3A_168 : memref<200x512xf32, #tpu.memory_space<hbm>>) target_semaphore(%run_scoped3A : memref<!tpu.dma_semaphore, #tpu.memory_space<semaphore_mem>>)
      %dma_wait3A = arith.constant 0 : i32
      %dma_wait3A_169 = tpu.memref_slice %arg4[%dma_wait3A, %mul3A_2] : memref<200x16384xf32, #tpu.memory_space<hbm>> -> memref<200x512xf32, #tpu.memory_space<hbm>>
      %dma_wait3A_170 = arith.constant 0 : i32
      %dma_wait3A_171 = tpu.memref_slice %arg4[%dma_wait3A_170, %mul3A_2] : memref<200x16384xf32, #tpu.memory_space<hbm>> -> memref<200x512xf32, #tpu.memory_space<hbm>>
      tpu.wait_dma2 semaphore(%run_scoped3A : memref<!tpu.dma_semaphore, #tpu.memory_space<semaphore_mem>>) src(%arg5 : memref<200x512xf32, #tpu.memory_space<vmem>>) dst(%dma_wait3A_171 : memref<200x512xf32, #tpu.memory_space<hbm>>)
      tpu.yield
    }) : () -> ()
    return
  }
}

module attributes {stable_mosaic.version = 14 : i64} {
  func.func @_fanout_body(%arg0: i32, %arg1: memref<200x2048xf32, #tpu.memory_space<vmem>>, %arg2: memref<200x2048xf32, #tpu.memory_space<vmem>>, %arg3: memref<200x2048xf32, #tpu.memory_space<vmem>>, %arg4: memref<200x2048xf32, #tpu.memory_space<vmem>>) attributes {dimension_semantics = [#tpu.dimension_semantics<arbitrary>], iteration_bounds = array<i64: 8>, scalar_prefetch = 0 : i64, scratch_operands = 0 : i64, tpu.core_type = #tpu.core_type<tc>, window_params = [{transform_indices = @transform_0, window_bounds = array<i64: 200, 2048>}, {transform_indices = @transform_1, window_bounds = array<i64: 200, 2048>}, {transform_indices = @transform_2, window_bounds = array<i64: 200, 2048>}, {transform_indices = @transform_3, window_bounds = array<i64: 200, 2048>}]} {
    %get3A = arith.constant 0 : index
    %get3A_0 = arith.constant 0 : index
    %get3A_1 = vector.load %arg1[%get3A, %get3A_0] : memref<200x2048xf32, #tpu.memory_space<vmem>>, vector<200x2048xf32>
    %swap3A = arith.constant 0 : index
    %swap3A_2 = arith.constant 0 : index
    %swap3A_3 = vector.load %arg2[%swap3A, %swap3A_2] : memref<200x2048xf32, #tpu.memory_space<vmem>>, vector<200x2048xf32>
    tpu.vector_store %arg2[%swap3A, %swap3A_2], %get3A_1 {strides = array<i32>} : memref<200x2048xf32, #tpu.memory_space<vmem>>, vector<200x2048xf32>,
    %swap3A_4 = arith.constant 0 : index
    %swap3A_5 = arith.constant 0 : index
    %swap3A_6 = vector.load %arg3[%swap3A_4, %swap3A_5] : memref<200x2048xf32, #tpu.memory_space<vmem>>, vector<200x2048xf32>
    tpu.vector_store %arg3[%swap3A_4, %swap3A_5], %get3A_1 {strides = array<i32>} : memref<200x2048xf32, #tpu.memory_space<vmem>>, vector<200x2048xf32>,
    %swap3A_7 = arith.constant 0 : index
    %swap3A_8 = arith.constant 0 : index
    %swap3A_9 = vector.load %arg4[%swap3A_7, %swap3A_8] : memref<200x2048xf32, #tpu.memory_space<vmem>>, vector<200x2048xf32>
    tpu.vector_store %arg4[%swap3A_7, %swap3A_8], %get3A_1 {strides = array<i32>} : memref<200x2048xf32, #tpu.memory_space<vmem>>, vector<200x2048xf32>,
    return
  }
  func.func @transform_0(%arg0: i32) -> (i32, i32) {
    %c0_i32 = arith.constant 0 : i32
    %c0_i32_0 = arith.constant 0 : i32
    return %c0_i32, %arg0 : i32, i32
  }
  func.func @transform_1(%arg0: i32) -> (i32, i32) {
    %c0_i32 = arith.constant 0 : i32
    %c0_i32_0 = arith.constant 0 : i32
    return %c0_i32, %arg0 : i32, i32
  }
  func.func @transform_2(%arg0: i32) -> (i32, i32) {
    %c0_i32 = arith.constant 0 : i32
    %c0_i32_0 = arith.constant 0 : i32
    return %c0_i32, %arg0 : i32, i32
  }
  func.func @transform_3(%arg0: i32) -> (i32, i32) {
    %c0_i32 = arith.constant 0 : i32
    %c0_i32_0 = arith.constant 0 : i32
    return %c0_i32, %arg0 : i32, i32
  }
}

</mosaic_0001>

<sc_bundles>
// kernel: kernel.4.cloned.1.call-start
scs
__scs_entry_jumppad:
0x0: {  	(pc) =	sbr.rel $0x88, $3  }
0x1: {  	(tag) =	ssettag $0x0;
	lr =	simm.s32 $0x1  }
0x2: {  	[smem:$0x3FA0] =	sst lr;
	_ =	strace $0xD0000000  }
0x3: {  	_ = 	snop  }
0x4: {  	_ = 	snop  }
0x5: {  	_ = 	snop  }
0x6: {  	_ = 	snop  }
0x7: {  	_ = 	snop  }
__scs_overlays_trampoline_lowered:
0x8: {  	[smem:$0x3FAF] =	sst s0  }
0x9: {  	[smem:$0x3FB0] =	sst s1  }
0xa: {  	[smem:$0x3FB1] =	sst s2  }
0xb: {  	[smem:$0x3FB2] =	sst s3  }
0xc: {  	[smem:$0x3FB3] =	sst s4  }
0xd: {  	[smem:$0x3FB4] =	sst s5  }
0xe: {  	[smem:$0x3FB5] =	sst s6  }
0xf: {  	[smem:$0x3FB6] =	sst s7  }
0x10: {  	[smem:$0x3FB7] =	sst s8  }
0x11: {  	[smem:$0x3FB8] =	sst s9;
	s0 =	simm.s32 @!p0 $0x0  }
0x12: {  	s1 =	sld [smem:$0x3F9E];
	s0 =	simm.s32 @p0 $0x1  }
0x13: {  	[smem:$0x3FB9] =	sst s0;
	s0 =	simm.s32 @!p1 $0x0  }
0x14: {  	s2 =	sld [smem:$0x3F9D];
	s0 =	simm.s32 @p1 $0x1  }
0x15: {  	[smem:$0x3FBA] =	sst s0;
	s0 =	simm.s32 @!p2 $0x0  }
0x16: {  	s3 =	sld [smem:$0x3FDB];
	s0 =	simm.s32 @p2 $0x1  }
0x17: {  	s4 =	simm.s32 $0x1BF5;
	[smem:$0x3FBC] =	sst s0  }
0x18: {  	s0 =	sld [smem:$0x3F9F];
	_ =	swait.ge [sflag:s4], $0x0  }
0x19: {  	s7 =	sld [smem:$0x3FA0]  }
0x1a: {  	s8 =	sadd.s32 $0xFFFFE003, lr  }
0x1b: {  	s9 =	sadd.s32 $0xFFFFFEF7, lr;
	s5 =	simm.s32 $0xFFFFFFFF;
	p2 =	slt.u32 s8, $0xFFFFF086  }
0x1c: {  	p1 =	slt.u32 s9, $0xF7A;
	s5 =	simm.s32 @!p2 $0x0  }
0x1d: {  	s5 =	simm.s32 @p1 $0x1;
	p0 =	seq.s32 s7, s2  }
0x1e: {  	s7 =	smul.u32 @!p0 $0xF7A, s2;
	p2 =	seq.s32 @!p0 s5, $0x0  }
0x1f: {  	s9 =	smul.u32 $0xF7A, s1;
	s8 =	simm.s32 @!p0 $0x1BF5;
	p2 =	por !p2, p0  }
0x20: {  	[sflag:s8] =	ssyncset.s32 @!p0 $0xFFFFF086;
	s6 =	sadd.s32 @!p0 s3, s7;
	s7 =	simm.s32 @!p0 $0x108  }
0x21: {  	s3 =	sadd.s32 s3, s9;
	s6 =	sadd.s32 @!p0 $0x88, s6;
	s7 =	simm.s32 @p2 $0x1082  }
0x22: {  	[simem:s7], [sflag:s8] =	dma.local @!p0 [hbm:s6], $0xF7A  }
0x23: {  	s9 =	sor.u32 $0xD0000000, s2;
	s6 =	simm.s32 $0x108;
	_ =	swait.ge @!p0 [sflag:s8], $0x0  }
0x24: {  	s3 =	sadd.s32 $0x88, s3;
	s6 =	simm.s32 @!p1 $0x1082;
	[sflag:s4] =	ssyncset.s32 $0xFFFFF086  }
0x25: {  	[simem:s6], [sflag:s4] =	dma.local [hbm:s3], $0xF7A  }
0x26: {  	[smem:$0x3FA0] =	sst s1;
	(tag) =	ssettag s2;
	_ =	strace s9  }
0x27: {  	s1 =	sld [smem:$0x3FB0]  }
0x28: {  	s2 =	sld [smem:$0x3FB1]  }
0x29: {  	s4 =	sld [smem:$0x3FB3]  }
0x2a: {  	p0 =	seq.s32 s5, $0x0;
	s5 =	sld [smem:$0x3FB4]  }
0x2b: {  	s6 =	sld [smem:$0x3FB5]  }
0x2c: {  	s7 =	sld [smem:$0x3FB6]  }
0x2d: {  	s3 =	simm.s32 $0x108;
	s8 =	sld [smem:$0x3FB7]  }
0x2e: {  	s3 =	simm.s32 @!p0 $0x1082;
	s9 =	sld [smem:$0x3FB8]  }
0x2f: {  	lr =	sadd.s32 s0, s3;
	s0 =	sld [smem:$0x3FAF]  }
0x30: {  	s3 =	sld [smem:$0x3FB2]  }
0x31: {  	[smem:$0x3FBB] =	sst s10  }
0x32: {  	s10 =	sld [smem:$0x3FB9];
	_ =	sdelay $0x3  }
0x33: {  	p0 =	seq.s32 s10, $0x1;
	s10 =	sld [smem:$0x3FBB];
	_ =	sdelay $0x3  }
0x34: {  	[smem:$0x3FBB] =	sst s10  }
0x35: {  	s10 =	sld [smem:$0x3FBA];
	_ =	sdelay $0x3  }
0x36: {  	p1 =	seq.s32 s10, $0x1;
	s10 =	sld [smem:$0x3FBB];
	_ =	sdelay $0x3  }
0x37: {  	[smem:$0x3FBB] =	sst s10  }
0x38: {  	s10 =	sld [smem:$0x3FBC]  }
0x39: {  	_ = 	snop;
	(pc) =	sbr.ind lr, $3  }
0x3a: {  	_ = 	snop  }
0x3b: {  	_ = 	snop  }
0x3c: {  	p2 =	seq.s32 s10, $0x1;
	s10 =	sld [smem:$0x3FBB]  }
0x3d: {  	_ =	shalt  }
0x3e: {  	_ =	shalt  }
0x3f: {  	_ =	shalt  }
0x40: {  	_ =	shalt  }
0x41: {  	_ =	shalt  }
0x42: {  	_ =	shalt  }
0x43: {  	_ =	shalt  }
0x44: {  	_ =	shalt  }
0x45: {  	_ =	shalt  }
0x46: {  	_ =	shalt  }
0x47: {  	_ =	shalt  }
0x48: {  	_ =	shalt  }
0x49: {  	_ =	shalt  }
0x4a: {  	_ =	shalt  }
0x4b: {  	_ =	shalt  }
0x4c: {  	_ =	shalt  }
0x4d: {  	_ =	shalt  }
0x4e: {  	_ =	shalt  }
0x4f: {  	_ =	shalt  }
0x50: {  	_ =	shalt  }
0x51: {  	_ =	shalt  }
0x52: {  	_ =	shalt  }
0x53: {  	_ =	shalt  }
0x54: {  	_ =	shalt  }
0x55: {  	_ =	shalt  }
0x56: {  	_ =	shalt  }
0x57: {  	_ =	shalt  }
0x58: {  	_ =	shalt  }
0x59: {  	_ =	shalt  }
0x5a: {  	_ =	shalt  }
0x5b: {  	_ =	shalt  }
0x5c: {  	_ =	shalt  }
0x5d: {  	_ =	shalt  }
0x5e: {  	_ =	shalt  }
0x5f: {  	_ =	shalt  }
0x60: {  	_ =	shalt  }
0x61: {  	_ =	shalt  }
0x62: {  	_ =	shalt  }
0x63: {  	_ =	shalt  }
0x64: {  	_ =	shalt  }
0x65: {  	_ =	shalt  }
0x66: {  	_ =	shalt  }
0x67: {  	_ =	shalt  }
0x68: {  	_ =	shalt  }
0x69: {  	_ =	shalt  }
0x6a: {  	_ =	shalt  }
0x6b: {  	_ =	shalt  }
0x6c: {  	_ =	shalt  }
0x6d: {  	_ =	shalt  }
0x6e: {  	_ =	shalt  }
0x6f: {  	_ =	shalt  }
0x70: {  	_ =	shalt  }
0x71: {  	_ =	shalt  }
0x72: {  	_ =	shalt  }
0x73: {  	_ =	shalt  }
0x74: {  	_ =	shalt  }
0x75: {  	_ =	shalt  }
0x76: {  	_ =	shalt  }
0x77: {  	_ =	shalt  }
0x78: {  	_ =	shalt  }
0x79: {  	_ =	shalt  }
0x7a: {  	_ =	shalt  }
0x7b: {  	_ =	shalt  }
0x7c: {  	_ =	shalt  }
0x7d: {  	_ =	shalt  }
0x7e: {  	_ =	shalt  }
0x7f: {  	_ =	shalt  }
0x80: {  	_ =	shalt  }
0x81: {  	_ =	shalt  }
0x82: {  	_ =	shalt  }
0x83: {  	_ =	shalt  }
0x84: {  	_ =	shalt  }
0x85: {  	_ =	shalt  }
0x86: {  	_ =	shalt  }
0x87: {  	_ =	shalt  }
.Lfunc_end0:
.L_simem_size_0:
called_computation_lowered:
.L_overlay_start_0:
0x88: {  	s2 =	sld [smem:$0x3FD9]  }
0x89: {  	s3 =	sld [smem:$0x3FFE];
	_ =	sdelay $0x1  }
0x8a: {  	s1 =	srdreg.scid  }
0x8b: {  	s0 =	sand.u32 $0x1, s1  }
0x8c: {  	s15 =	sshll.u32 s0, $0xA;
	s2 =	sadd.s32 s3, s2  }
0x8d: {  	s2 =	sadd.s32 s2, s15  }
0x8e: {  	[smem:$0x3FC7] =	sst s2  }
0x8f: {  	_ = 	snop  }
0x90: {  	s2 =	sld [smem:$0x3FD0];
	_ =	sdelay $0x2  }
0x91: {  	s4 =	simm.s32 $0xA;
	s5 =	simm.s32 $0x10;
	s16 =	sld [smem:$0x3FC9]  }
0x92: {  	[smem:s5], [sflag:s4] =	dma.local [hbm:s2], $0x1  }
0x93: {  	_ =	swait.eq [sflag:s4], $0x1  }
0x94: {  	[sflag:s4] =	ssyncset.done $0x0  }
0x95: {  	s17 =	sld [smem:$0x11];
	[sflag:s4] =	ssyncadd.s32 $0xFFFFFFFF  }
0x96: {  	s18 =	sld [smem:$0x13];
	(tm) =	ssettm $0x1  }
0x97: {  	s19 =	sld [smem:$0x3FFB];
	_ =	sdelay $0x3  }
0x98: {  	_ =	strace s19  }
0x99: {  	s5 =	sld [smem:$0x3FFC];
	_ =	sdelay $0x3  }
0x9a: {  	_ =	strace s5  }
0x9b: {  	s5 =	sld [smem:$0x3FFD];
	_ =	sdelay $0x3  }
0x9c: {  	_ =	strace s5  }
0x9d: {  	_ =	strace $0x8FFFFFFF  }
0x9e: {  	s20 =	sld [smem:$0x3FDB];
	_ =	sdelay $0x1  }
0x9f: {  	s6 =	simm.s32 $_scs_section_size  }
0xa0: {  	s7 =	simm.s32 $_size__tile_overlayer_lowered;
	s8 =	simm.s32 $_tile_overlayer_lowered  }
0xa1: {  	s23 =	simm.s32 $0x1BFF;
	s22 =	sshll.u32 s8, $0x1;
	s5 =	sadd.s32 s6, s20  }
0xa2: {  	s9 =	simm.s32 $0x0;
	s21 =	sshll.u32 s7, $0x1;
	s7 =	sadd.s32 s22, s5  }
0xa3: {  	[timem:s9], [sflag:s23] =	dma.local [hbm:s7], s21  }
0xa4: {  	_ =	swait.ge [sflag:s23], s21  }
0xa5: {  	s6 =	ssub.s32 $0x0, s21;
	[sflag:s23] =	ssyncset.done $0x0  }
0xa6: {  	[sflag:s23] =	ssyncadd.s32 s6;
	_ =	sdelay $0x1  }
0xa7: {  	s24 =	simm.s32 $0x1B8B  }
0xa8: {  	_ =	swait.ge [sflag:s24], $0x1  }
0xa9: {  	[sflag:s24] =	ssyncset.done $0x0  }
0xaa: {  	s25 =	simm.s32 $0x1B8E;
	[sflag:s24] =	ssyncadd.s32 $0xFFFFFFFF  }
0xab: {  	s26 =	simm.s32 $execute0_lowered;
	[smem:$0x3FD2] =	sst s25  }
0xac: {  	s6 =	sshll.u32 s26, $0x1;
	_ =	strace $0x80000046;
	[dreg:$0x1] =	wrdreg $0xFFFFFFFF  }
0xad: {  	s28 =	simm.s32 $_size_execute0_lowered;
	s5 =	sadd.s32 s5, s6;
	[dreg:$0x0] =	wrdreg $0x0  }
0xae: {  	s6 =	sshll.u32 s28, $0x1;
	[dreg:$0x2] =	wrdreg s5  }
0xaf: {  	[dreg:$0x3] =	wrdreg s6  }
0xb0: {  	[dreg:$0x4] =	wrdreg $0xC0  }
0xb1: {  	_ =	task [dreg:s9], $0x5FFFF  }
0xb2: {  	[dreg:$0x1] =	wrdreg $0xFFFFFFFF  }
0xb3: {  	[dreg:$0x0] =	wrdreg $0x60  }
0xb4: {  	[dreg:$0x2] =	wrdreg s16  }
0xb5: {  	[dreg:$0x3] =	wrdreg s17  }
0xb6: {  	[dreg:$0x4] =	wrdreg s18  }
0xb7: {  	[dreg:$0x5] =	wrdreg $0x9  }
0xb8: {  	_ =	task.clear_ibuf [dreg:s9], $0x6FFFF;
	_ =	strace $0x90000046  }
0xb9: {  	s29 =	simm.s32 $0x9;
	_ =	strace $0x80000048  }
0xba: {  	_ =	swait.ge [sflag:s29], $0x1  }
0xbb: {  	[sflag:s29] =	ssyncadd.s32 $0xFFFFFFFF  }
0xbc: {  	_ =	strace $0x90000048  }
0xbd: {  	_ =	sfence  }
0xbe: {  	s30 =	sld [smem:$0x0];
	_ =	sdelay $0x2  }
0xbf: {  	s31 =	sshll.u32 s1, $0xD;
	s1 =	sshrl.u32 s1, $0x2  }
0xc0: {  	s3 =	sand.u32 $0x4000, s31;
	s1 =	sadd.s32 s1, s30  }
0xc1: {  	s0 =	sor.u32 s3, s0;
	s1 =	sshll.u32 s1, $0x11  }
0xc2: {  	s0 =	sor.u32 s1, s0  }
0xc3: {  	s0 =	sadd.s32 $0x8F2B, s0  }
0xc4: {  	[sflag:s0] =	ssyncadd.remote.s32 $0x1  }
0xc5: {  	_ =	sfence.sel $0xFFFF  }
0xc6: {  	[dreg:$0x0] =	wrdreg $0xFFFFFFFF;
	(pc) =	sbr.abs _section_cstart, $3  }
0xc7: {  	[dreg:$0x1] =	wrdreg $0xFFFFFFFF  }
0xc8: {  	_ =	task.clear_ibuf [dreg:s9], $0x2FFFF;
	_ =	strace $0x9FFFFFFF  }
0xc9: {  	(tm) =	ssettm $0x7FFFFFFF  }
tec
execute0_lowered:
.L_overlay_start_1:
0x0: {  	(tag) =	ssettag $0x1  }
0x1: {  	s3 =	rddreg [dreg:$0x0]  }
0x2: {  	s7 =	rddreg [dreg:$0x1]  }
0x3: {  	s8 =	rddreg [dreg:$0x2]  }
0x4: {  	s2 =	srdreg.scid;
	s0 =	rddreg [dreg:$0x3]  }
0x5: {  	s1 =	stileid.u32;
	s10 =	sand.u32 $0x1, s2;
	s2 =	simm.s32 $0x0  }
0x6: {  	s4 =	sshll.u32 s1, $0xA;
	s5 =	sshll.u32 s10, $0x9;
	[smem:$0x7FF] =	sst s2  }
0x7: {  	v0 =	vlaneseq.u32;
	s6 =	simm.s32 $0x20000;
	s9 =	sor.u32 s5, s4;
	_ =	strace $0x80000047  }
0x8: {  	v1 =	vor.u32 $0x80, v0;
	s4 =	simm.s32 $0x1000;
	s5 =	simm.s32 $0x1;
	s3 =	sadd.s32 s3, s9  }
0x9: {  	[tilespmem:s2], [sflag:$0x1] =	stream.strided.gather [hbm4b:s3+s4], $0x19000, s6, s4, $0x38;
	[tilespmem:$0x19000] =	vst v63  }
0xa: {  	_ =	swait.ge [sflag:s5], $0x19000  }
0xb: {  	[sflag:s5] =	ssyncset.done $0x0  }
0xc: {  	[sflag:s5] =	ssyncadd.s32 $0xFFFE7000  }
0xd: {  	v4 =	vld.idx.msk [tilespmem:v1+s2+$0x0], $0xffff  }
0xe: {  	v5 =	vld.idx.msk [tilespmem:v0+s2+$0x0], $0xffff  }
0xf: {  	v2 =	vor.u32 $0x90, v0  }
0x10: {  	v3 =	vor.u32 $0x10, v0;
	_ =	sdelay $0x1  }
0x11: {  	[tilespmem:v0+s2+$0x0] =	vst.idx.msk $0xffff, v4  }
0x12: {  	[tilespmem:v1+s2+$0x0] =	vst.idx.msk $0xffff, v5  }
0x13: {  	v6 =	vld.idx.msk [tilespmem:v2+s2+$0x0], $0xffff  }
0x14: {  	v7 =	vld.idx.msk [tilespmem:v3+s2+$0x0], $0xffff  }
0x15: {  	v4 =	vor.u32 $0xA0, v0  }
0x16: {  	v5 =	vor.u32 $0x20, v0;
	_ =	sdelay $0x1  }
0x17: {  	[tilespmem:v3+s2+$0x0] =	vst.idx.msk $0xffff, v6  }
0x18: {  	[tilespmem:v2+s2+$0x0] =	vst.idx.msk $0xffff, v7  }
0x19: {  	v8 =	vld.idx.msk [tilespmem:v4+s2+$0x0], $0xffff  }
0x1a: {  	v9 =	vld.idx.msk [tilespmem:v5+s2+$0x0], $0xffff  }
0x1b: {  	v6 =	vor.u32 $0xB0, v0  }
0x1c: {  	v7 =	vor.u32 $0x30, v0;
	_ =	sdelay $0x1  }
0x1d: {  	[tilespmem:v5+s2+$0x0] =	vst.idx.msk $0xffff, v8  }
0x1e: {  	[tilespmem:v4+s2+$0x0] =	vst.idx.msk $0xffff, v9  }
0x1f: {  	v10 =	vld.idx.msk [tilespmem:v6+s2+$0x0], $0xffff  }
0x20: {  	v11 =	vld.idx.msk [tilespmem:v7+s2+$0x0], $0xffff  }
0x21: {  	v8 =	vor.u32 $0xC0, v0  }
0x22: {  	v9 =	vor.u32 $0x40, v0;
	_ =	sdelay $0x1  }
0x23: {  	[tilespmem:v7+s2+$0x0] =	vst.idx.msk $0xffff, v10  }
0x24: {  	[tilespmem:v6+s2+$0x0] =	vst.idx.msk $0xffff, v11  }
0x25: {  	v12 =	vld.idx.msk [tilespmem:v8+s2+$0x0], $0xffff  }
0x26: {  	v13 =	vld.idx.msk [tilespmem:v9+s2+$0x0], $0xffff  }
0x27: {  	v10 =	vor.u32 $0xD0, v0  }
0x28: {  	v11 =	vor.u32 $0x50, v0;
	_ =	sdelay $0x1  }
0x29: {  	[tilespmem:v9+s2+$0x0] =	vst.idx.msk $0xffff, v12  }
0x2a: {  	[tilespmem:v8+s2+$0x0] =	vst.idx.msk $0xffff, v13  }
0x2b: {  	v14 =	vld.idx.msk [tilespmem:v10+s2+$0x0], $0xffff  }
0x2c: {  	v15 =	vld.idx.msk [tilespmem:v11+s2+$0x0], $0xffff  }
0x2d: {  	v12 =	vor.u32 $0xE0, v0  }
0x2e: {  	v13 =	vor.u32 $0x60, v0;
	_ =	sdelay $0x1  }
0x2f: {  	[tilespmem:v11+s2+$0x0] =	vst.idx.msk $0xffff, v14  }
0x30: {  	[tilespmem:v10+s2+$0x0] =	vst.idx.msk $0xffff, v15  }
0x31: {  	v16 =	vld.idx.msk [tilespmem:v12+s2+$0x0], $0xffff  }
0x32: {  	v17 =	vld.idx.msk [tilespmem:v13+s2+$0x0], $0xffff  }
0x33: {  	v14 =	vor.u32 $0xF0, v0  }
0x34: {  	v15 =	vor.u32 $0x70, v0;
	_ =	sdelay $0x1  }
0x35: {  	[tilespmem:v13+s2+$0x0] =	vst.idx.msk $0xffff, v16  }
0x36: {  	[tilespmem:v12+s2+$0x0] =	vst.idx.msk $0xffff, v17  }
0x37: {  	v18 =	vld.idx.msk [tilespmem:v14+s2+$0x0], $0xffff  }
0x38: {  	v19 =	vld.idx.msk [tilespmem:v15+s2+$0x0], $0xffff  }
0x39: {  	v16 =	vor.u32 $0x480, v0  }
0x3a: {  	v17 =	vor.u32 $0x400, v0;
	_ =	sdelay $0x1  }
0x3b: {  	[tilespmem:v15+s2+$0x0] =	vst.idx.msk $0xffff, v18  }
0x3c: {  	[tilespmem:v14+s2+$0x0] =	vst.idx.msk $0xffff, v19  }
0x3d: {  	v20 =	vld.idx.msk [tilespmem:v16+s2+$0x0], $0xffff  }
0x3e: {  	v21 =	vld.idx.msk [tilespmem:v17+s2+$0x0], $0xffff  }
0x3f: {  	v18 =	vor.u32 $0x490, v0  }
0x40: {  	v19 =	vor.u32 $0x410, v0;
	_ =	sdelay $0x1  }
0x41: {  	[tilespmem:v17+s2+$0x0] =	vst.idx.msk $0xffff, v20  }
0x42: {  	[tilespmem:v16+s2+$0x0] =	vst.idx.msk $0xffff, v21  }
0x43: {  	v22 =	vld.idx.msk [tilespmem:v18+s2+$0x0], $0xffff  }
0x44: {  	v23 =	vld.idx.msk [tilespmem:v19+s2+$0x0], $0xffff  }
0x45: {  	v20 =	vor.u32 $0x4A0, v0  }
0x46: {  	v21 =	vor.u32 $0x420, v0;
	_ =	sdelay $0x1  }
0x47: {  	[tilespmem:v19+s2+$0x0] =	vst.idx.msk $0xffff, v22  }
0x48: {  	[tilespmem:v18+s2+$0x0] =	vst.idx.msk $0xffff, v23  }
0x49: {  	v24 =	vld.idx.msk [tilespmem:v20+s2+$0x0], $0xffff  }
0x4a: {  	v25 =	vld.idx.msk [tilespmem:v21+s2+$0x0], $0xffff  }
0x4b: {  	v22 =	vor.u32 $0x4B0, v0  }
0x4c: {  	v23 =	vor.u32 $0x430, v0;
	_ =	sdelay $0x1  }
0x4d: {  	[tilespmem:v21+s2+$0x0] =	vst.idx.msk $0xffff, v24  }
0x4e: {  	[tilespmem:v20+s2+$0x0] =	vst.idx.msk $0xffff, v25  }
0x4f: {  	v26 =	vld.idx.msk [tilespmem:v22+s2+$0x0], $0xffff  }
0x50: {  	v27 =	vld.idx.msk [tilespmem:v23+s2+$0x0], $0xffff  }
0x51: {  	v24 =	vor.u32 $0x4C0, v0  }
0x52: {  	v25 =	vor.u32 $0x440, v0;
	_ =	sdelay $0x1  }
0x53: {  	[tilespmem:v23+s2+$0x0] =	vst.idx.msk $0xffff, v26  }
0x54: {  	[tilespmem:v22+s2+$0x0] =	vst.idx.msk $0xffff, v27  }
0x55: {  	v28 =	vld.idx.msk [tilespmem:v24+s2+$0x0], $0xffff  }
0x56: {  	v29 =	vld.idx.msk [tilespmem:v25+s2+$0x0], $0xffff  }
0x57: {  	v26 =	vor.u32 $0x4D0, v0  }
0x58: {  	v27 =	vor.u32 $0x450, v0;
	_ =	sdelay $0x1  }
0x59: {  	[tilespmem:v25+s2+$0x0] =	vst.idx.msk $0xffff, v28  }
0x5a: {  	[tilespmem:v24+s2+$0x0] =	vst.idx.msk $0xffff, v29  }
0x5b: {  	v30 =	vld.idx.msk [tilespmem:v26+s2+$0x0], $0xffff  }
0x5c: {  	v31 =	vld.idx.msk [tilespmem:v27+s2+$0x0], $0xffff  }
0x5d: {  	v28 =	vor.u32 $0x4E0, v0  }
0x5e: {  	v29 =	vor.u32 $0x460, v0;
	_ =	sdelay $0x1  }
0x5f: {  	[tilespmem:v27+s2+$0x0] =	vst.idx.msk $0xffff, v30  }
0x60: {  	[tilespmem:v26+s2+$0x0] =	vst.idx.msk $0xffff, v31  }
0x61: {  	v32 =	vld.idx.msk [tilespmem:v28+s2+$0x0], $0xffff  }
0x62: {  	v33 =	vld.idx.msk [tilespmem:v29+s2+$0x0], $0xffff  }
0x63: {  	v30 =	vor.u32 $0x4F0, v0  }
0x64: {  	v31 =	vor.u32 $0x470, v0;
	_ =	sdelay $0x1  }
0x65: {  	[tilespmem:v29+s2+$0x0] =	vst.idx.msk $0xffff, v32  }
0x66: {  	[tilespmem:v28+s2+$0x0] =	vst.idx.msk $0xffff, v33  }
0x67: {  	v34 =	vld.idx.msk [tilespmem:v30+s2+$0x0], $0xffff  }
0x68: {  	v35 =	vld.idx.msk [tilespmem:v31+s2+$0x0], $0xffff  }
0x69: {  	v32 =	vor.u32 $0x880, v0  }
0x6a: {  	v33 =	vor.u32 $0x800, v0;
	_ =	sdelay $0x1  }
0x6b: {  	[tilespmem:v31+s2+$0x0] =	vst.idx.msk $0xffff, v34  }
0x6c: {  	[tilespmem:v30+s2+$0x0] =	vst.idx.msk $0xffff, v35  }
0x6d: {  	v36 =	vld.idx.msk [tilespmem:v32+s2+$0x0], $0xffff  }
0x6e: {  	v37 =	vld.idx.msk [tilespmem:v33+s2+$0x0], $0xffff  }
0x6f: {  	v34 =	vor.u32 $0x890, v0  }
0x70: {  	v35 =	vor.u32 $0x810, v0;
	_ =	sdelay $0x1  }
0x71: {  	[tilespmem:v33+s2+$0x0] =	vst.idx.msk $0xffff, v36  }
0x72: {  	[tilespmem:v32+s2+$0x0] =	vst.idx.msk $0xffff, v37  }
0x73: {  	v38 =	vld.idx.msk [tilespmem:v34+s2+$0x0], $0xffff  }
0x74: {  	v39 =	vld.idx.msk [tilespmem:v35+s2+$0x0], $0xffff  }
0x75: {  	v36 =	vor.u32 $0x8A0, v0  }
0x76: {  	v37 =	vor.u32 $0x820, v0;
	_ =	sdelay $0x1  }
0x77: {  	[tilespmem:v35+s2+$0x0] =	vst.idx.msk $0xffff, v38  }
0x78: {  	[tilespmem:v34+s2+$0x0] =	vst.idx.msk $0xffff, v39  }
0x79: {  	v40 =	vld.idx.msk [tilespmem:v36+s2+$0x0], $0xffff  }
0x7a: {  	v41 =	vld.idx.msk [tilespmem:v37+s2+$0x0], $0xffff  }
0x7b: {  	v38 =	vor.u32 $0x8B0, v0  }
0x7c: {  	v39 =	vor.u32 $0x830, v0;
	_ =	sdelay $0x1  }
0x7d: {  	[tilespmem:v37+s2+$0x0] =	vst.idx.msk $0xffff, v40  }
0x7e: {  	[tilespmem:v36+s2+$0x0] =	vst.idx.msk $0xffff, v41  }
0x7f: {  	v42 =	vld.idx.msk [tilespmem:v38+s2+$0x0], $0xffff  }
0x80: {  	v43 =	vld.idx.msk [tilespmem:v39+s2+$0x0], $0xffff  }
0x81: {  	v40 =	vor.u32 $0x8C0, v0  }
0x82: {  	v41 =	vor.u32 $0x840, v0;
	_ =	sdelay $0x1  }
0x83: {  	[tilespmem:v39+s2+$0x0] =	vst.idx.msk $0xffff, v42  }
0x84: {  	[tilespmem:v38+s2+$0x0] =	vst.idx.msk $0xffff, v43  }
0x85: {  	v44 =	vld.idx.msk [tilespmem:v40+s2+$0x0], $0xffff  }
0x86: {  	v45 =	vld.idx.msk [tilespmem:v41+s2+$0x0], $0xffff  }
0x87: {  	v42 =	vor.u32 $0x8D0, v0  }
0x88: {  	v43 =	vor.u32 $0x850, v0;
	_ =	sdelay $0x1  }
0x89: {  	[tilespmem:v41+s2+$0x0] =	vst.idx.msk $0xffff, v44  }
0x8a: {  	[tilespmem:v40+s2+$0x0] =	vst.idx.msk $0xffff, v45  }
0x8b: {  	v46 =	vld.idx.msk [tilespmem:v42+s2+$0x0], $0xffff  }
0x8c: {  	v47 =	vld.idx.msk [tilespmem:v43+s2+$0x0], $0xffff  }
0x8d: {  	v44 =	vor.u32 $0x8E0, v0  }
0x8e: {  	v45 =	vor.u32 $0x860, v0;
	_ =	sdelay $0x1  }
0x8f: {  	[tilespmem:v43+s2+$0x0] =	vst.idx.msk $0xffff, v46  }
0x90: {  	[tilespmem:v42+s2+$0x0] =	vst.idx.msk $0xffff, v47  }
0x91: {  	v48 =	vld.idx.msk [tilespmem:v44+s2+$0x0], $0xffff  }
0x92: {  	v49 =	vld.idx.msk [tilespmem:v45+s2+$0x0], $0xffff  }
0x93: {  	v46 =	vor.u32 $0x8F0, v0  }
0x94: {  	v47 =	vor.u32 $0x870, v0;
	_ =	sdelay $0x1  }
0x95: {  	[tilespmem:v45+s2+$0x0] =	vst.idx.msk $0xffff, v48  }
0x96: {  	[tilespmem:v44+s2+$0x0] =	vst.idx.msk $0xffff, v49  }
0x97: {  	v50 =	vld.idx.msk [tilespmem:v46+s2+$0x0], $0xffff  }
0x98: {  	v51 =	vld.idx.msk [tilespmem:v47+s2+$0x0], $0xffff  }
0x99: {  	v48 =	vor.u32 $0xC80, v0  }
0x9a: {  	v49 =	vor.u32 $0xC00, v0;
	_ =	sdelay $0x1  }
0x9b: {  	[tilespmem:v47+s2+$0x0] =	vst.idx.msk $0xffff, v50  }
0x9c: {  	[tilespmem:v46+s2+$0x0] =	vst.idx.msk $0xffff, v51  }
0x9d: {  	v52 =	vld.idx.msk [tilespmem:v48+s2+$0x0], $0xffff  }
0x9e: {  	v53 =	vld.idx.msk [tilespmem:v49+s2+$0x0], $0xffff  }
0x9f: {  	v50 =	vor.u32 $0xC90, v0  }
0xa0: {  	v51 =	vor.u32 $0xC10, v0;
	_ =	sdelay $0x1  }
0xa1: {  	[tilespmem:v49+s2+$0x0] =	vst.idx.msk $0xffff, v52  }
0xa2: {  	[tilespmem:v48+s2+$0x0] =	vst.idx.msk $0xffff, v53  }
0xa3: {  	v54 =	vld.idx.msk [tilespmem:v50+s2+$0x0], $0xffff  }
0xa4: {  	v55 =	vld.idx.msk [tilespmem:v51+s2+$0x0], $0xffff  }
0xa5: {  	v52 =	vor.u32 $0xCA0, v0  }
0xa6: {  	v53 =	vor.u32 $0xC20, v0;
	_ =	sdelay $0x1  }
0xa7: {  	[tilespmem:v51+s2+$0x0] =	vst.idx.msk $0xffff, v54  }
0xa8: {  	[tilespmem:v50+s2+$0x0] =	vst.idx.msk $0xffff, v55  }
0xa9: {  	v56 =	vld.idx.msk [tilespmem:v52+s2+$0x0], $0xffff  }
0xaa: {  	v57 =	vld.idx.msk [tilespmem:v53+s2+$0x0], $0xffff  }
0xab: {  	v54 =	vor.u32 $0xCB0, v0  }
0xac: {  	v55 =	vor.u32 $0xC30, v0;
	_ =	sdelay $0x1  }
0xad: {  	[tilespmem:v53+s2+$0x0] =	vst.idx.msk $0xffff, v56  }
0xae: {  	[tilespmem:v52+s2+$0x0] =	vst.idx.msk $0xffff, v57  }
0xaf: {  	v58 =	vld.idx.msk [tilespmem:v54+s2+$0x0], $0xffff  }
0xb0: {  	v59 =	vld.idx.msk [tilespmem:v55+s2+$0x0], $0xffff  }
0xb1: {  	v56 =	vor.u32 $0xCC0, v0  }
0xb2: {  	v57 =	vor.u32 $0xC40, v0;
	_ =	sdelay $0x1  }
0xb3: {  	[tilespmem:v55+s2+$0x0] =	vst.idx.msk $0xffff, v58  }
0xb4: {  	[tilespmem:v54+s2+$0x0] =	vst.idx.msk $0xffff, v59  }
0xb5: {  	v60 =	vld.idx.msk [tilespmem:v56+s2+$0x0], $0xffff  }
0xb6: {  	v61 =	vld.idx.msk [tilespmem:v57+s2+$0x0], $0xffff  }
0xb7: {  	v58 =	vor.u32 $0xCD0, v0  }
0xb8: {  	v59 =	vor.u32 $0xC50, v0;
	_ =	sdelay $0x1  }
0xb9: {  	[tilespmem:v57+s2+$0x0] =	vst.idx.msk $0xffff, v60  }
0xba: {  	[tilespmem:v56+s2+$0x0] =	vst.idx.msk $0xffff, v61  }
0xbb: {  	v62 =	vld.idx.msk [tilespmem:v58+s2+$0x0], $0xffff  }
0xbc: {  	v63 =	vld.idx.msk [tilespmem:v59+s2+$0x0], $0xffff  }
0xbd: {  	v60 =	vor.u32 $0xCE0, v0  }
0xbe: {  	v61 =	vor.u32 $0xC60, v0;
	_ =	sdelay $0x1  }
0xbf: {  	[tilespmem:v59+s2+$0x0] =	vst.idx.msk $0xffff, v62  }
0xc0: {  	[tilespmem:v58+s2+$0x0] =	vst.idx.msk $0xffff, v63  }
0xc1: {  	[tilespmem:$0x1FFD0] =	vst v1;
	v1 =	vld.idx.msk [tilespmem:v60+s2+$0x0], $0xffff  }
0xc2: {  	[tilespmem:$0x1FFF0] =	vst v2;
	v2 =	vld.idx.msk [tilespmem:v61+s2+$0x0], $0xffff  }
0xc3: {  	v62 =	vor.u32 $0xCF0, v0  }
0xc4: {  	v63 =	vor.u32 $0xC70, v0;
	_ =	sdelay $0x1  }
0xc5: {  	[tilespmem:v61+s2+$0x0] =	vst.idx.msk $0xffff, v1  }
0xc6: {  	[tilespmem:v60+s2+$0x0] =	vst.idx.msk $0xffff, v2  }
0xc7: {  	v0 =	vld.idx.msk [tilespmem:v62+s2+$0x0], $0xffff  }
0xc8: {  	v1 =	vld.idx.msk [tilespmem:v63+s2+$0x0], $0xffff;
	_ =	sdelay $0x1  }
0xc9: {  	s10 =	ssub.s32 $0x2, s10  }
0xca: {  	s11 =	sshrl.u32 s10, $0x1;
	[tilespmem:$0x1FFE0] =	vst v3  }
0xcb: {  	s10 =	ssub.s32 s10, s11;
	[tilespmem:v63+s2+$0x0] =	vst.idx.msk $0xffff, v0  }
0xcc: {  	s7 =	sadd.s32 s7, s9;
	s31 =	smax.u32 s10, $0x1;
	[tilespmem:v62+s2+$0x0] =	vst.idx.msk $0xffff, v1  }
0xcd: {  	[hbm4b:s7+s4] =	stream.strided.scatter [tilespmem:s2], [sflag:$0x1], $0x19000, s6, s4, $0x38;
	[tilespmem:$0x19000] =	vst v63  }
0xce: {  	p0 =	sne.s32 s31, $0x1;
	_ =	swait.ge [sflag:s5], $0x19000  }
.Ltmp0:
0xcf: {  	[sflag:s5] =	ssyncset.done $0x0;
	(pc) =	sbr.rel @!p0 .LBB2_2-.Ltmp0, $4  }
0xd0: {  	s8 =	sadd.s32 s8, s9;
	[sflag:s5] =	ssyncadd.s32 $0xFFFE7000  }
0xd1: {  	[hbm4b:s8+s4] =	stream.strided.scatter [tilespmem:s2], [sflag:$0x1], $0x19000, s6, s4, $0x38;
	[tilespmem:$0x19000] =	vst v63  }
0xd2: {  	_ =	swait.ge [sflag:s5], $0x19000  }
0xd3: {  	s9 =	sadd.s32 $0xFFFFFFFF, s31;
	[sflag:s5] =	ssyncset.done $0x0  }
.LBB2_1:
0xd4: {  	[sflag:s5] =	ssyncadd.s32 $0xFFFE7000  }
0xd5: {  	[tilespmem:s2], [sflag:$0x1] =	stream.strided.gather [hbm4b:s3+s4], $0x19000, s6, s4, $0x38;
	[tilespmem:$0x19000] =	vst v63  }
0xd6: {  	_ =	swait.ge [sflag:s5], $0x19000  }
0xd7: {  	v3 =	vld [tilespmem:$0x1FFD0];
	_ =	sdelay $0x3  }
0xd8: {  	v2 =	vlaneseq.u32;
	_ =	sdelay $0x1  }
0xd9: {  	[sflag:s5] =	ssyncset.done $0x0  }
0xda: {  	[sflag:s5] =	ssyncadd.s32 $0xFFFE7000  }
0xdb: {  	v0 =	vld.idx.msk [tilespmem:v3+s2+$0x0], $0xffff  }
0xdc: {  	v1 =	vld.idx.msk [tilespmem:v2+s2+$0x0], $0xffff;
	_ =	sdelay $0x3  }
0xdd: {  	[tilespmem:v2+s2+$0x0] =	vst.idx.msk $0xffff, v0;
	v2 =	vld [tilespmem:$0x1FFF0]  }
0xde: {  	[tilespmem:v3+s2+$0x0] =	vst.idx.msk $0xffff, v1;
	v3 =	vld [tilespmem:$0x1FFE0];
	_ =	sdelay $0x6  }
0xdf: {  	v0 =	vld.idx.msk [tilespmem:v2+s2+$0x0], $0xffff  }
0xe0: {  	v1 =	vld.idx.msk [tilespmem:v3+s2+$0x0], $0xffff;
	_ =	sdelay $0x3  }
0xe1: {  	[tilespmem:v3+s2+$0x0] =	vst.idx.msk $0xffff, v0  }
0xe2: {  	[tilespmem:v2+s2+$0x0] =	vst.idx.msk $0xffff, v1  }
0xe3: {  	v0 =	vld.idx.msk [tilespmem:v4+s2+$0x0], $0xffff  }
0xe4: {  	v1 =	vld.idx.msk [tilespmem:v5+s2+$0x0], $0xffff;
	_ =	sdelay $0x3  }
0xe5: {  	[tilespmem:v5+s2+$0x0] =	vst.idx.msk $0xffff, v0  }
0xe6: {  	[tilespmem:v4+s2+$0x0] =	vst.idx.msk $0xffff, v1  }
0xe7: {  	v0 =	vld.idx.msk [tilespmem:v6+s2+$0x0], $0xffff  }
0xe8: {  	v1 =	vld.idx.msk [tilespmem:v7+s2+$0x0], $0xffff;
	_ =	sdelay $0x3  }
0xe9: {  	[tilespmem:v7+s2+$0x0] =	vst.idx.msk $0xffff, v0  }
0xea: {  	[tilespmem:v6+s2+$0x0] =	vst.idx.msk $0xffff, v1  }
0xeb: {  	v0 =	vld.idx.msk [tilespmem:v8+s2+$0x0], $0xffff  }
0xec: {  	v1 =	vld.idx.msk [tilespmem:v9+s2+$0x0], $0xffff;
	_ =	sdelay $0x3  }
0xed: {  	[tilespmem:v9+s2+$0x0] =	vst.idx.msk $0xffff, v0  }
0xee: {  	[tilespmem:v8+s2+$0x0] =	vst.idx.msk $0xffff, v1  }
0xef: {  	v0 =	vld.idx.msk [tilespmem:v10+s2+$0x0], $0xffff  }
0xf0: {  	v1 =	vld.idx.msk [tilespmem:v11+s2+$0x0], $0xffff;
	_ =	sdelay $0x3  }
0xf1: {  	[tilespmem:v11+s2+$0x0] =	vst.idx.msk $0xffff, v0  }
0xf2: {  	[tilespmem:v10+s2+$0x0] =	vst.idx.msk $0xffff, v1  }
0xf3: {  	v0 =	vld.idx.msk [tilespmem:v12+s2+$0x0], $0xffff  }
0xf4: {  	v1 =	vld.idx.msk [tilespmem:v13+s2+$0x0], $0xffff;
	_ =	sdelay $0x3  }
0xf5: {  	[tilespmem:v13+s2+$0x0] =	vst.idx.msk $0xffff, v0  }
0xf6: {  	[tilespmem:v12+s2+$0x0] =	vst.idx.msk $0xffff, v1  }
0xf7: {  	v0 =	vld.idx.msk [tilespmem:v14+s2+$0x0], $0xffff  }
0xf8: {  	v1 =	vld.idx.msk [tilespmem:v15+s2+$0x0], $0xffff;
	_ =	sdelay $0x3  }
0xf9: {  	[tilespmem:v15+s2+$0x0] =	vst.idx.msk $0xffff, v0  }
0xfa: {  	[tilespmem:v14+s2+$0x0] =	vst.idx.msk $0xffff, v1  }
0xfb: {  	v0 =	vld.idx.msk [tilespmem:v16+s2+$0x0], $0xffff  }
0xfc: {  	v1 =	vld.idx.msk [tilespmem:v17+s2+$0x0], $0xffff;
	_ =	sdelay $0x3  }
0xfd: {  	[tilespmem:v17+s2+$0x0] =	vst.idx.msk $0xffff, v0  }
0xfe: {  	[tilespmem:v16+s2+$0x0] =	vst.idx.msk $0xffff, v1  }
0xff: {  	v0 =	vld.idx.msk [tilespmem:v18+s2+$0x0], $0xffff  }
0x100: {  	v1 =	vld.idx.msk [tilespmem:v19+s2+$0x0], $0xffff;
	_ =	sdelay $0x3  }
0x101: {  	[tilespmem:v19+s2+$0x0] =	vst.idx.msk $0xffff, v0  }
0x102: {  	[tilespmem:v18+s2+$0x0] =	vst.idx.msk $0xffff, v1  }
0x103: {  	v0 =	vld.idx.msk [tilespmem:v20+s2+$0x0], $0xffff  }
0x104: {  	v1 =	vld.idx.msk [tilespmem:v21+s2+$0x0], $0xffff;
	_ =	sdelay $0x3  }
0x105: {  	[tilespmem:v21+s2+$0x0] =	vst.idx.msk $0xffff, v0  }
0x106: {  	[tilespmem:v20+s2+$0x0] =	vst.idx.msk $0xffff, v1  }
0x107: {  	v0 =	vld.idx.msk [tilespmem:v22+s2+$0x0], $0xffff  }
0x108: {  	v1 =	vld.idx.msk [tilespmem:v23+s2+$0x0], $0xffff;
	_ =	sdelay $0x3  }
0x109: {  	[tilespmem:v23+s2+$0x0] =	vst.idx.msk $0xffff, v0  }
0x10a: {  	[tilespmem:v22+s2+$0x0] =	vst.idx.msk $0xffff, v1  }
0x10b: {  	v0 =	vld.idx.msk [tilespmem:v24+s2+$0x0], $0xffff  }
0x10c: {  	v1 =	vld.idx.msk [tilespmem:v25+s2+$0x0], $0xffff;
	_ =	sdelay $0x3  }
0x10d: {  	[tilespmem:v25+s2+$0x0] =	vst.idx.msk $0xffff, v0  }
0x10e: {  	[tilespmem:v24+s2+$0x0] =	vst.idx.msk $0xffff, v1  }
0x10f: {  	v0 =	vld.idx.msk [tilespmem:v26+s2+$0x0], $0xffff  }
0x110: {  	v1 =	vld.idx.msk [tilespmem:v27+s2+$0x0], $0xffff;
	_ =	sdelay $0x3  }
0x111: {  	[tilespmem:v27+s2+$0x0] =	vst.idx.msk $0xffff, v0  }
0x112: {  	[tilespmem:v26+s2+$0x0] =	vst.idx.msk $0xffff, v1  }
0x113: {  	v0 =	vld.idx.msk [tilespmem:v28+s2+$0x0], $0xffff  }
0x114: {  	v1 =	vld.idx.msk [tilespmem:v29+s2+$0x0], $0xffff;
	_ =	sdelay $0x3  }
0x115: {  	[tilespmem:v29+s2+$0x0] =	vst.idx.msk $0xffff, v0  }
0x116: {  	[tilespmem:v28+s2+$0x0] =	vst.idx.msk $0xffff, v1  }
0x117: {  	v0 =	vld.idx.msk [tilespmem:v30+s2+$0x0], $0xffff  }
0x118: {  	v1 =	vld.idx.msk [tilespmem:v31+s2+$0x0], $0xffff;
	_ =	sdelay $0x3  }
0x119: {  	[tilespmem:v31+s2+$0x0] =	vst.idx.msk $0xffff, v0  }
0x11a: {  	[tilespmem:v30+s2+$0x0] =	vst.idx.msk $0xffff, v1  }
0x11b: {  	v0 =	vld.idx.msk [tilespmem:v32+s2+$0x0], $0xffff  }
0x11c: {  	v1 =	vld.idx.msk [tilespmem:v33+s2+$0x0], $0xffff;
	_ =	sdelay $0x3  }
0x11d: {  	[tilespmem:v33+s2+$0x0] =	vst.idx.msk $0xffff, v0  }
0x11e: {  	[tilespmem:v32+s2+$0x0] =	vst.idx.msk $0xffff, v1  }
0x11f: {  	v0 =	vld.idx.msk [tilespmem:v34+s2+$0x0], $0xffff  }
0x120: {  	v1 =	vld.idx.msk [tilespmem:v35+s2+$0x0], $0xffff;
	_ =	sdelay $0x3  }
0x121: {  	[tilespmem:v35+s2+$0x0] =	vst.idx.msk $0xffff, v0  }
0x122: {  	[tilespmem:v34+s2+$0x0] =	vst.idx.msk $0xffff, v1  }
0x123: {  	v0 =	vld.idx.msk [tilespmem:v36+s2+$0x0], $0xffff  }
0x124: {  	v1 =	vld.idx.msk [tilespmem:v37+s2+$0x0], $0xffff;
	_ =	sdelay $0x3  }
0x125: {  	[tilespmem:v37+s2+$0x0] =	vst.idx.msk $0xffff, v0  }
0x126: {  	[tilespmem:v36+s2+$0x0] =	vst.idx.msk $0xffff, v1  }
0x127: {  	v0 =	vld.idx.msk [tilespmem:v38+s2+$0x0], $0xffff  }
0x128: {  	v1 =	vld.idx.msk [tilespmem:v39+s2+$0x0], $0xffff;
	_ =	sdelay $0x3  }
0x129: {  	[tilespmem:v39+s2+$0x0] =	vst.idx.msk $0xffff, v0  }
0x12a: {  	[tilespmem:v38+s2+$0x0] =	vst.idx.msk $0xffff, v1  }
0x12b: {  	v0 =	vld.idx.msk [tilespmem:v40+s2+$0x0], $0xffff  }
0x12c: {  	v1 =	vld.idx.msk [tilespmem:v41+s2+$0x0], $0xffff;
	_ =	sdelay $0x3  }
0x12d: {  	[tilespmem:v41+s2+$0x0] =	vst.idx.msk $0xffff, v0  }
0x12e: {  	[tilespmem:v40+s2+$0x0] =	vst.idx.msk $0xffff, v1  }
0x12f: {  	v0 =	vld.idx.msk [tilespmem:v42+s2+$0x0], $0xffff  }
0x130: {  	v1 =	vld.idx.msk [tilespmem:v43+s2+$0x0], $0xffff;
	_ =	sdelay $0x3  }
0x131: {  	[tilespmem:v43+s2+$0x0] =	vst.idx.msk $0xffff, v0  }
0x132: {  	[tilespmem:v42+s2+$0x0] =	vst.idx.msk $0xffff, v1  }
0x133: {  	v0 =	vld.idx.msk [tilespmem:v44+s2+$0x0], $0xffff  }
0x134: {  	v1 =	vld.idx.msk [tilespmem:v45+s2+$0x0], $0xffff;
	_ =	sdelay $0x3  }
0x135: {  	[tilespmem:v45+s2+$0x0] =	vst.idx.msk $0xffff, v0  }
0x136: {  	[tilespmem:v44+s2+$0x0] =	vst.idx.msk $0xffff, v1  }
0x137: {  	v0 =	vld.idx.msk [tilespmem:v46+s2+$0x0], $0xffff  }
0x138: {  	v1 =	vld.idx.msk [tilespmem:v47+s2+$0x0], $0xffff;
	_ =	sdelay $0x3  }
0x139: {  	[tilespmem:v47+s2+$0x0] =	vst.idx.msk $0xffff, v0  }
0x13a: {  	[tilespmem:v46+s2+$0x0] =	vst.idx.msk $0xffff, v1  }
0x13b: {  	v0 =	vld.idx.msk [tilespmem:v48+s2+$0x0], $0xffff  }
0x13c: {  	v1 =	vld.idx.msk [tilespmem:v49+s2+$0x0], $0xffff;
	_ =	sdelay $0x3  }
0x13d: {  	[tilespmem:v49+s2+$0x0] =	vst.idx.msk $0xffff, v0  }
0x13e: {  	[tilespmem:v48+s2+$0x0] =	vst.idx.msk $0xffff, v1  }
0x13f: {  	v0 =	vld.idx.msk [tilespmem:v50+s2+$0x0], $0xffff  }
0x140: {  	v1 =	vld.idx.msk [tilespmem:v51+s2+$0x0], $0xffff;
	_ =	sdelay $0x3  }
0x141: {  	[tilespmem:v51+s2+$0x0] =	vst.idx.msk $0xffff, v0  }
0x142: {  	[tilespmem:v50+s2+$0x0] =	vst.idx.msk $0xffff, v1  }
0x143: {  	v0 =	vld.idx.msk [tilespmem:v52+s2+$0x0], $0xffff  }
0x144: {  	v1 =	vld.idx.msk [tilespmem:v53+s2+$0x0], $0xffff;
	_ =	sdelay $0x3  }
0x145: {  	[tilespmem:v53+s2+$0x0] =	vst.idx.msk $0xffff, v0  }
0x146: {  	[tilespmem:v52+s2+$0x0] =	vst.idx.msk $0xffff, v1  }
0x147: {  	v0 =	vld.idx.msk [tilespmem:v54+s2+$0x0], $0xffff  }
0x148: {  	v1 =	vld.idx.msk [tilespmem:v55+s2+$0x0], $0xffff;
	_ =	sdelay $0x3  }
0x149: {  	[tilespmem:v55+s2+$0x0] =	vst.idx.msk $0xffff, v0  }
0x14a: {  	[tilespmem:v54+s2+$0x0] =	vst.idx.msk $0xffff, v1  }
0x14b: {  	v0 =	vld.idx.msk [tilespmem:v56+s2+$0x0], $0xffff  }
0x14c: {  	v1 =	vld.idx.msk [tilespmem:v57+s2+$0x0], $0xffff;
	_ =	sdelay $0x3  }
0x14d: {  	[tilespmem:v57+s2+$0x0] =	vst.idx.msk $0xffff, v0  }
0x14e: {  	[tilespmem:v56+s2+$0x0] =	vst.idx.msk $0xffff, v1  }
0x14f: {  	v0 =	vld.idx.msk [tilespmem:v58+s2+$0x0], $0xffff  }
0x150: {  	v1 =	vld.idx.msk [tilespmem:v59+s2+$0x0], $0xffff;
	_ =	sdelay $0x3  }
0x151: {  	[tilespmem:v59+s2+$0x0] =	vst.idx.msk $0xffff, v0  }
0x152: {  	[tilespmem:v58+s2+$0x0] =	vst.idx.msk $0xffff, v1  }
0x153: {  	v0 =	vld.idx.msk [tilespmem:v60+s2+$0x0], $0xffff  }
0x154: {  	v1 =	vld.idx.msk [tilespmem:v61+s2+$0x0], $0xffff;
	_ =	sdelay $0x3  }
0x155: {  	[tilespmem:v61+s2+$0x0] =	vst.idx.msk $0xffff, v0  }
0x156: {  	[tilespmem:v60+s2+$0x0] =	vst.idx.msk $0xffff, v1  }
0x157: {  	v0 =	vld.idx.msk [tilespmem:v62+s2+$0x0], $0xffff  }
0x158: {  	v1 =	vld.idx.msk [tilespmem:v63+s2+$0x0], $0xffff;
	_ =	sdelay $0x3  }
0x159: {  	[tilespmem:v63+s2+$0x0] =	vst.idx.msk $0xffff, v0  }
0x15a: {  	[tilespmem:v62+s2+$0x0] =	vst.idx.msk $0xffff, v1  }
0x15b: {  	[hbm4b:s7+s4] =	stream.strided.scatter [tilespmem:s2], [sflag:$0x1], $0x19000, s6, s4, $0x38;
	[tilespmem:$0x19000] =	vst v63  }
0x15c: {  	p0 =	sne.s32 s9, $0x1;
	_ =	swait.ge [sflag:s5], $0x19000  }
.Ltmp1:
0x15d: {  	[sflag:s5] =	ssyncset.done $0x0;
	(pc) =	sbr.rel @p0 .LBB2_1-.Ltmp1, $4  }
0x15e: {  	[sflag:s5] =	ssyncadd.s32 $0xFFFE7000  }
0x15f: {  	[hbm4b:s8+s4] =	stream.strided.scatter [tilespmem:s2], [sflag:$0x1], $0x19000, s6, s4, $0x38;
	[tilespmem:$0x19000] =	vst v63  }
0x160: {  	_ =	swait.ge [sflag:s5], $0x19000  }
0x161: {  	s9 =	sadd.s32 $0xFFFFFFFF, s9;
	[sflag:s5] =	ssyncset.done $0x0  }
.LBB2_2:
0x162: {  	[sflag:s5] =	ssyncadd.s32 $0xFFFE7000  }
0x163: {  	_ =	sfence.sel $0x180000  }
0x164: {  	[bflag:$0x0] =	sbarrier.arrive $0xFFFF  }
0x165: {  	p0 =	sne.s32 s1, $0x0;
	_ =	strace $0x90000047  }
0x166: {  	s0 =	sadd.s32 @!p0 $0x100000, s0;
	[bflag:$0x2] =	sbarrier.arrive $0xFFFF  }
0x167: {  	[sflag:s0] =	ssyncadd.tile.s32 @!p0 $0x1;
	_ =	shalt  }
.Lfunc_end2:
_tile_overlayer_lowered:
.L_overlay_start_2:
0x168: {  	(tag) =	ssettag $0x2  }
0x169: {  	s0 =	rddreg [dreg:$0x0];
	s2 =	stileid.u32  }
0x16a: {  	s1 =	rddreg [dreg:$0x1];
	p0 =	sne.s32 s2, $0x0  }
0x16b: {  	s3 =	rddreg [dreg:$0x2];
	[bflag:$0x3] =	sbarrier.arrive $0xFFFF;
	s2 =	simm.s32 @!p0 $0x1C01  }
0x16c: {  	[timem:s3], [sflag:s2] =	dma.local @!p0 [hbm:s0], s1  }
0x16d: {  	s0 =	simm.s32 @!p0 $0x1  }
0x16e: {  	_ =	swait.ge @!p0 [sflag:s0], s1  }
0x16f: {  	s1 =	ssub.s32 @!p0 $0x0, s1;
	[sflag:s0] =	ssyncset.done @!p0 $0x0  }
0x170: {  	[sflag:s0] =	ssyncadd.s32 @!p0 s1  }
0x171: {  	[bflag:$0x3] =	sbarrier.arrive $0xFFFF  }
0x172: {  	_ =	shalt  }

</sc_bundles>
